<compile_context>
chip_gen: v7x
topology: tpu7x:2x2x1
jax: 0.10.2.dev20260603
libtpu: 0.0.44.dev20260713+nightly
codegen_flags: <defaults>
</compile_context>

<pallas_src>
import functools

import jax
import jax.numpy as jnp
from jax import lax
from jax.experimental import pallas as pl
from jax.experimental.pallas import tpu as pltpu
from jax.experimental.pallas import tpu_sc as plsc

_ROWS = 16384
_COLS = 50
_V = 1000000
_D = 64
_DP = 128
_NC, _NS = 2, 16
_NW = _NC * _NS
_IB = 128
_IPW = _ROWS // _NW
_IBW = _IPW // _IB
_NCH = _COLS * _IBW
_NBUF = 5

_TA = 16384


def _fmt_table_body(t_ref, o_ref):
    o_ref[:, :_D] = jnp.swapaxes(t_ref[...], 0, 1)


def _fmt_table(tT):
    return pl.pallas_call(
        _fmt_table_body,
        grid=((_V + _TA - 1) // _TA,),
        in_specs=[pl.BlockSpec((_D, _TA), lambda i: (0, i))],
        out_specs=pl.BlockSpec((_TA, _DP), lambda i: (i, 0)),
        out_shape=jax.ShapeDtypeStruct((_V, _DP), jnp.float32),
    )(tT)


_mesh = plsc.VectorSubcoreMesh(core_axis_name="c", subcore_axis_name="s")


@functools.partial(
    pl.kernel,
    out_type=jax.ShapeDtypeStruct((_COLS, _ROWS, _DP), jnp.float32),
    mesh=_mesh,
    scratch_types=[
        pltpu.VMEM((_COLS, _IPW), jnp.int32),
        pltpu.VMEM((_NBUF, _IB, _DP), jnp.float32),
        [pltpu.SemaphoreType.DMA] * _NBUF,
        [pltpu.SemaphoreType.DMA] * _NBUF,
    ],
    compiler_params=pltpu.CompilerParams(use_tc_tiling_on_sc=False),
)
def _sc_gather(x2_hbm, tab2_hbm, g_hbm, idx_v, rows_v, gsems, fsems):
    wid = lax.axis_index("s") * _NC + lax.axis_index("c")
    ibase = wid * _IPW

    pltpu.sync_copy(x2_hbm.at[:, pl.ds(ibase, _IPW)], idx_v)

    def gather_copy(c, b):
        j = c // _IBW
        ib = c % _IBW
        return pltpu.make_async_copy(
            tab2_hbm.at[idx_v.at[j, pl.ds(ib * _IB, _IB)]],
            rows_v.at[b],
            gsems[b],
        )

    def flush_copy(c, b):
        j = c // _IBW
        ib = c % _IBW
        return pltpu.make_async_copy(
            rows_v.at[b],
            g_hbm.at[j, pl.ds(ibase + ib * _IB, _IB)],
            fsems[b],
        )

    for b in range(_NBUF):
        gather_copy(b, b).start()

    @pl.loop(0, _NCH, step=_NBUF)
    def _(c):
        for b in range(_NBUF):
            gather_copy(c + b, b).wait()
            flush_copy(c + b, b).start()
        for b in range(_NBUF):
            flush_copy(c + b, b).wait()

            @pl.when(c + _NBUF + b < _NCH)
            def _():
                gather_copy(c + _NBUF + b, b).start()


def _fmt_out_body(g_ref, o_ref):
    o_ref[0] = jnp.swapaxes(g_ref[0, :, :_D], 0, 1)


def _fmt_out(g):
    return pl.pallas_call(
        _fmt_out_body,
        grid=(_COLS,),
        in_specs=[pl.BlockSpec((1, _ROWS, _DP), lambda j: (j, 0, 0))],
        out_specs=pl.BlockSpec((1, _D, _ROWS), lambda j: (j, 0, 0)),
        out_shape=jax.ShapeDtypeStruct((_COLS, _D, _ROWS), jnp.float32),
        compiler_params=pltpu.CompilerParams(vmem_limit_bytes=100 * 1024 * 1024),
    )(g)


def kernel(x, table):
    tT = jnp.swapaxes(table, 0, 1)
    tpad = _fmt_table(tT)
    xT = jnp.swapaxes(x, 0, 1)
    g = _sc_gather(xT, tpad)
    outT = _fmt_out(g)
    return outT.transpose(2, 0, 1)

# --- scband reference (transcript-rebuilt; emitter-appended) ---
"""Pipeline reference for scband-action-embedding-layer-38912403702243 (READ-ONLY COPY).

The authoritative reference and input builder live on the scoring server;
editing this copy changes nothing except your own understanding.
"""

import jax, jax.numpy as jnp
import numpy as np

VOCAB = 1000000
EMB = 64

def setup_inputs(seed: int = 0) -> dict:
    key = jax.random.key(seed)
    k1, k2 = jax.random.split(key)
    x = jax.random.randint(k1, (16384, 50), 0, VOCAB, dtype=jnp.int64 if jax.config.jax_enable_x64 else jnp.int32)
    table = jax.random.normal(k2, (VOCAB, EMB), dtype=jnp.float32)
    # padding_idx=0: row 0 of the embedding table is zeros
    table = table.at[0].set(0.0)
    return {"x": x, "table": table}

def reference(x, table):
    # nn.Embedding(vocab, dim, padding_idx=0): gather rows; row 0 is the zero padding row
    out = jnp.take(table, x, axis=0)
    return out

if __name__ == "__main__":
    import jax
    _d = setup_inputs()
    print(jax.jit(kernel)(*tuple(_d.values())))

</pallas_src>

<mosaic_0001>
#map = affine_map<(d0, d1) -> (0, 0)>
#map1 = affine_map<(d0, d1) -> (0, 0, 0)>
module attributes {stable_mosaic.version = 14 : i64} {
  func.func @_sc_gather(%arg0: i32, %arg1: i32, %arg2: memref<50x16384xi32, #tpu.memory_space<hbm>>, %arg3: memref<1000000x128xf32, #tpu.memory_space<hbm>>, %arg4: memref<50x16384x128xf32, #tpu.memory_space<hbm>>, %arg5: memref<50x512xi32, #tpu.memory_space<vmem>>, %arg6: memref<5x128x128xf32, #tpu.memory_space<vmem>>, %arg7: memref<!tpu.dma_semaphore, #tpu.memory_space<semaphore_mem>>, %arg8: memref<!tpu.dma_semaphore, #tpu.memory_space<semaphore_mem>>, %arg9: memref<!tpu.dma_semaphore, #tpu.memory_space<semaphore_mem>>, %arg10: memref<!tpu.dma_semaphore, #tpu.memory_space<semaphore_mem>>, %arg11: memref<!tpu.dma_semaphore, #tpu.memory_space<semaphore_mem>>, %arg12: memref<!tpu.dma_semaphore, #tpu.memory_space<semaphore_mem>>, %arg13: memref<!tpu.dma_semaphore, #tpu.memory_space<semaphore_mem>>, %arg14: memref<!tpu.dma_semaphore, #tpu.memory_space<semaphore_mem>>, %arg15: memref<!tpu.dma_semaphore, #tpu.memory_space<semaphore_mem>>, %arg16: memref<!tpu.dma_semaphore, #tpu.memory_space<semaphore_mem>>) attributes {dimension_semantics = [#tpu.dimension_semantics<core_parallel>, #tpu.dimension_semantics<subcore_parallel>], iteration_bounds = array<i64: 2, 16>, scalar_prefetch = 0 : i64, scratch_operands = 12 : i64, tpu.core_type = #tpu.core_type<sc_vector_subcore>, window_params = [{transform_indices = #map}, {transform_indices = #map}, {transform_indices = #map1}]} {
    %mul3A = arith.constant 2 : i32
    %mul3A_0 = arith.muli %arg1, %mul3A : i32
    %add3A = arith.addi %mul3A_0, %arg0 : i32
    %mul3A_1 = arith.constant 512 : i32
    %mul3A_2 = arith.muli %add3A, %mul3A_1 : i32
    "tpu.region"() ({
      %run_scoped3A = tpu.sem_alloc : memref<!tpu.dma_semaphore, #tpu.memory_space<semaphore_mem>>
      %dma_start3A_66 = arith.constant 0 : i32
      %dma_start3A_67 = tpu.memref_slice %arg2[%dma_start3A_66, %mul3A_2] : memref<50x16384xi32, #tpu.memory_space<hbm>> -> memref<50x512xi32, #tpu.memory_space<hbm>>
      %dma_start3A_68 = arith.constant 0 : i32
      %dma_start3A_69 = tpu.memref_slice %arg2[%dma_start3A_68, %mul3A_2] : memref<50x16384xi32, #tpu.memory_space<hbm>> -> memref<50x512xi32, #tpu.memory_space<hbm>>
      tpu.enqueue_dma source(%dma_start3A_69 : memref<50x512xi32, #tpu.memory_space<hbm>>) target(%arg5 : memref<50x512xi32, #tpu.memory_space<vmem>>) target_semaphore(%run_scoped3A : memref<!tpu.dma_semaphore, #tpu.memory_space<semaphore_mem>>)
      %dma_wait3A = arith.constant 0 : i32
      %dma_wait3A_70 = tpu.memref_slice %arg2[%dma_wait3A, %mul3A_2] : memref<50x16384xi32, #tpu.memory_space<hbm>> -> memref<50x512xi32, #tpu.memory_space<hbm>>
      %dma_wait3A_71 = arith.constant 0 : i32
      %dma_wait3A_72 = tpu.memref_slice %arg2[%dma_wait3A_71, %mul3A_2] : memref<50x16384xi32, #tpu.memory_space<hbm>> -> memref<50x512xi32, #tpu.memory_space<hbm>>
      tpu.wait_dma2 semaphore(%run_scoped3A : memref<!tpu.dma_semaphore, #tpu.memory_space<semaphore_mem>>) src(%dma_wait3A_72 : memref<50x512xi32, #tpu.memory_space<hbm>>) dst(%arg5 : memref<50x512xi32, #tpu.memory_space<vmem>>)
      tpu.yield
    }) : () -> ()
    %dma_start3A = arith.constant 0 : i32
    %dma_start3A_3 = arith.constant 0 : i32
    %dma_start3A_4 = arith.constant 0 : i32
    %dma_start3A_5 = arith.constant 0 : i32
    %dma_start3A_6 = tpu.memref_slice %arg6[%dma_start3A_3, %dma_start3A_4, %dma_start3A_5] : memref<5x128x128xf32, #tpu.memory_space<vmem>> -> memref<1x128x128xf32, #tpu.memory_space<vmem>>
    %dma_start3A_7 = tpu.memref_squeeze %dma_start3A_6 : memref<1x128x128xf32, #tpu.memory_space<vmem>> -> memref<128x128xf32, #tpu.memory_space<vmem>>
    %dma_start3A_8 = arith.constant 0 : i32
    %dma_start3A_9 = tpu.memref_slice %arg5[%dma_start3A, %dma_start3A_8] : memref<50x512xi32, #tpu.memory_space<vmem>> -> memref<1x128xi32, #tpu.memory_space<vmem>>
    %dma_start3A_10 = tpu.memref_squeeze %dma_start3A_9 : memref<1x128xi32, #tpu.memory_space<vmem>> -> memref<128xi32, #tpu.memory_space<vmem>>
    %dma_start3A_11 = arith.constant 0 : i32
    %dma_start3A_12 = arith.constant 0 : i32
    %dma_start3A_13 = tpu.memref_slice %arg3[%dma_start3A_11, %dma_start3A_12] : memref<1000000x128xf32, #tpu.memory_space<hbm>> -> memref<1000000x128xf32, #tpu.memory_space<hbm>>
    tpu.enqueue_indirect_dma source(%dma_start3A_13 : memref<1000000x128xf32, #tpu.memory_space<hbm>>) target(%dma_start3A_7 : memref<128x128xf32, #tpu.memory_space<vmem>>) offsets(%dma_start3A_10 : memref<128xi32, #tpu.memory_space<vmem>>) semaphore(%arg7 : memref<!tpu.dma_semaphore, #tpu.memory_space<semaphore_mem>>)
    %dma_start3A_14 = arith.constant 0 : i32
    %dma_start3A_15 = arith.constant 1 : i32
    %dma_start3A_16 = arith.constant 0 : i32
    %dma_start3A_17 = arith.constant 0 : i32
    %dma_start3A_18 = tpu.memref_slice %arg6[%dma_start3A_15, %dma_start3A_16, %dma_start3A_17] : memref<5x128x128xf32, #tpu.memory_space<vmem>> -> memref<1x128x128xf32, #tpu.memory_space<vmem>>
    %dma_start3A_19 = tpu.memref_squeeze %dma_start3A_18 : memref<1x128x128xf32, #tpu.memory_space<vmem>> -> memref<128x128xf32, #tpu.memory_space<vmem>>
    %dma_start3A_20 = arith.constant 128 : i32
    %dma_start3A_21 = tpu.memref_slice %arg5[%dma_start3A_14, %dma_start3A_20] : memref<50x512xi32, #tpu.memory_space<vmem>> -> memref<1x128xi32, #tpu.memory_space<vmem>>
    %dma_start3A_22 = tpu.memref_squeeze %dma_start3A_21 : memref<1x128xi32, #tpu.memory_space<vmem>> -> memref<128xi32, #tpu.memory_space<vmem>>
    %dma_start3A_23 = arith.constant 0 : i32
    %dma_start3A_24 = arith.constant 0 : i32
    %dma_start3A_25 = tpu.memref_slice %arg3[%dma_start3A_23, %dma_start3A_24] : memref<1000000x128xf32, #tpu.memory_space<hbm>> -> memref<1000000x128xf32, #tpu.memory_space<hbm>>
    tpu.enqueue_indirect_dma source(%dma_start3A_25 : memref<1000000x128xf32, #tpu.memory_space<hbm>>) target(%dma_start3A_19 : memref<128x128xf32, #tpu.memory_space<vmem>>) offsets(%dma_start3A_22 : memref<128xi32, #tpu.memory_space<vmem>>) semaphore(%arg8 : memref<!tpu.dma_semaphore, #tpu.memory_space<semaphore_mem>>)
    %dma_start3A_26 = arith.constant 0 : i32
    %dma_start3A_27 = arith.constant 2 : i32
    %dma_start3A_28 = arith.constant 0 : i32
    %dma_start3A_29 = arith.constant 0 : i32
    %dma_start3A_30 = tpu.memref_slice %arg6[%dma_start3A_27, %dma_start3A_28, %dma_start3A_29] : memref<5x128x128xf32, #tpu.memory_space<vmem>> -> memref<1x128x128xf32, #tpu.memory_space<vmem>>
    %dma_start3A_31 = tpu.memref_squeeze %dma_start3A_30 : memref<1x128x128xf32, #tpu.memory_space<vmem>> -> memref<128x128xf32, #tpu.memory_space<vmem>>
    %dma_start3A_32 = arith.constant 256 : i32
    %dma_start3A_33 = tpu.memref_slice %arg5[%dma_start3A_26, %dma_start3A_32] : memref<50x512xi32, #tpu.memory_space<vmem>> -> memref<1x128xi32, #tpu.memory_space<vmem>>
    %dma_start3A_34 = tpu.memref_squeeze %dma_start3A_33 : memref<1x128xi32, #tpu.memory_space<vmem>> -> memref<128xi32, #tpu.memory_space<vmem>>
    %dma_start3A_35 = arith.constant 0 : i32
    %dma_start3A_36 = arith.constant 0 : i32
    %dma_start3A_37 = tpu.memref_slice %arg3[%dma_start3A_35, %dma_start3A_36] : memref<1000000x128xf32, #tpu.memory_space<hbm>> -> memref<1000000x128xf32, #tpu.memory_space<hbm>>
    tpu.enqueue_indirect_dma source(%dma_start3A_37 : memref<1000000x128xf32, #tpu.memory_space<hbm>>) target(%dma_start3A_31 : memref<128x128xf32, #tpu.memory_space<vmem>>) offsets(%dma_start3A_34 : memref<128xi32, #tpu.memory_space<vmem>>) semaphore(%arg9 : memref<!tpu.dma_semaphore, #tpu.memory_space<semaphore_mem>>)
    %dma_start3A_38 = arith.constant 0 : i32
    %dma_start3A_39 = arith.constant 3 : i32
    %dma_start3A_40 = arith.constant 0 : i32
    %dma_start3A_41 = arith.constant 0 : i32
    %dma_start3A_42 = tpu.memref_slice %arg6[%dma_start3A_39, %dma_start3A_40, %dma_start3A_41] : memref<5x128x128xf32, #tpu.memory_space<vmem>> -> memref<1x128x128xf32, #tpu.memory_space<vmem>>
    %dma_start3A_43 = tpu.memref_squeeze %dma_start3A_42 : memref<1x128x128xf32, #tpu.memory_space<vmem>> -> memref<128x128xf32, #tpu.memory_space<vmem>>
    %dma_start3A_44 = arith.constant 384 : i32
    %dma_start3A_45 = tpu.memref_slice %arg5[%dma_start3A_38, %dma_start3A_44] : memref<50x512xi32, #tpu.memory_space<vmem>> -> memref<1x128xi32, #tpu.memory_space<vmem>>
    %dma_start3A_46 = tpu.memref_squeeze %dma_start3A_45 : memref<1x128xi32, #tpu.memory_space<vmem>> -> memref<128xi32, #tpu.memory_space<vmem>>
    %dma_start3A_47 = arith.constant 0 : i32
    %dma_start3A_48 = arith.constant 0 : i32
    %dma_start3A_49 = tpu.memref_slice %arg3[%dma_start3A_47, %dma_start3A_48] : memref<1000000x128xf32, #tpu.memory_space<hbm>> -> memref<1000000x128xf32, #tpu.memory_space<hbm>>
    tpu.enqueue_indirect_dma source(%dma_start3A_49 : memref<1000000x128xf32, #tpu.memory_space<hbm>>) target(%dma_start3A_43 : memref<128x128xf32, #tpu.memory_space<vmem>>) offsets(%dma_start3A_46 : memref<128xi32, #tpu.memory_space<vmem>>) semaphore(%arg10 : memref<!tpu.dma_semaphore, #tpu.memory_space<semaphore_mem>>)
    %dma_start3A_50 = arith.constant 1 : i32
    %dma_start3A_51 = arith.constant 4 : i32
    %dma_start3A_52 = arith.constant 0 : i32
    %dma_start3A_53 = arith.constant 0 : i32
    %dma_start3A_54 = tpu.memref_slice %arg6[%dma_start3A_51, %dma_start3A_52, %dma_start3A_53] : memref<5x128x128xf32, #tpu.memory_space<vmem>> -> memref<1x128x128xf32, #tpu.memory_space<vmem>>
    %dma_start3A_55 = tpu.memref_squeeze %dma_start3A_54 : memref<1x128x128xf32, #tpu.memory_space<vmem>> -> memref<128x128xf32, #tpu.memory_space<vmem>>
    %dma_start3A_56 = arith.constant 0 : i32
    %dma_start3A_57 = tpu.memref_slice %arg5[%dma_start3A_50, %dma_start3A_56] : memref<50x512xi32, #tpu.memory_space<vmem>> -> memref<1x128xi32, #tpu.memory_space<vmem>>
    %dma_start3A_58 = tpu.memref_squeeze %dma_start3A_57 : memref<1x128xi32, #tpu.memory_space<vmem>> -> memref<128xi32, #tpu.memory_space<vmem>>
    %dma_start3A_59 = arith.constant 0 : i32
    %dma_start3A_60 = arith.constant 0 : i32
    %dma_start3A_61 = tpu.memref_slice %arg3[%dma_start3A_59, %dma_start3A_60] : memref<1000000x128xf32, #tpu.memory_space<hbm>> -> memref<1000000x128xf32, #tpu.memory_space<hbm>>
    tpu.enqueue_indirect_dma source(%dma_start3A_61 : memref<1000000x128xf32, #tpu.memory_space<hbm>>) target(%dma_start3A_55 : memref<128x128xf32, #tpu.memory_space<vmem>>) offsets(%dma_start3A_58 : memref<128xi32, #tpu.memory_space<vmem>>) semaphore(%arg11 : memref<!tpu.dma_semaphore, #tpu.memory_space<semaphore_mem>>)
    %scan3A = arith.constant 0 : i32
    %scan3A_62 = arith.constant 40 : i32
    %scan3A_63 = arith.addi %scan3A, %scan3A_62 : i32
    %scan3A_64 = arith.constant 1 : i32
    scf.for %scan3A_66 = %scan3A to %scan3A_63 step %scan3A_64  : i32 {
      %mul3A_67 = arith.constant 5 : i32
      %mul3A_68 = arith.muli %scan3A_66, %mul3A_67 : i32
      %add3A_69 = arith.constant 0 : i32
      %add3A_70 = arith.addi %add3A_69, %mul3A_68 : i32
      %add3A_71 = arith.constant 0 : i32
      %add3A_72 = arith.addi %add3A_70, %add3A_71 : i32
      %jit3A = arith.constant 4 : i32
      %div3A = arith.divsi %add3A_72, %jit3A : i32
      %sign3A = arith.constant 0 : i32
      %sign3A_73 = arith.cmpi sgt, %add3A_72, %sign3A : i32
      %sign3A_74 = arith.extui %sign3A_73 : i1 to i32
      %sign3A_75 = arith.constant 0 : i32
      %sign3A_76 = arith.cmpi slt, %add3A_72, %sign3A_75 : i32
      %sign3A_77 = arith.extui %sign3A_76 : i1 to i32
      %sign3A_78 = arith.subi %sign3A_74, %sign3A_77 : i32
      %sign3A_79 = arith.constant 0 : i32
      %sign3A_80 = arith.cmpi sgt, %jit3A, %sign3A_79 : i32
      %sign3A_81 = arith.extui %sign3A_80 : i1 to i32
      %sign3A_82 = arith.constant 0 : i32
      %sign3A_83 = arith.cmpi slt, %jit3A, %sign3A_82 : i32
      %sign3A_84 = arith.extui %sign3A_83 : i1 to i32
      %sign3A_85 = arith.subi %sign3A_81, %sign3A_84 : i32
      %ne3A = arith.cmpi ne, %sign3A_78, %sign3A_85 : i32
      %rem3A = arith.remsi %add3A_72, %jit3A : i32
      %ne3A_86 = arith.constant 0 : i32
      %ne3A_87 = arith.cmpi ne, %rem3A, %ne3A_86 : i32
      %and3A = arith.andi %ne3A, %ne3A_87 : i1
      %sub3A = arith.constant 1 : i32
      %sub3A_88 = arith.subi %div3A, %sub3A : i32
      %select_n3A = arith.select %and3A, %sub3A_88, %div3A : i32
      %jit3A_89 = arith.constant 4 : i32
      %eq3A = arith.constant 0 : i32
      %eq3A_90 = arith.cmpi eq, %jit3A_89, %eq3A : i32
      %jit3A_91 = arith.constant 1 : i32
      %select_n3A_92 = arith.select %eq3A_90, %jit3A_91, %jit3A_89 : i32
      %rem3A_93 = arith.remsi %add3A_72, %select_n3A_92 : i32
      %ne3A_94 = arith.constant 0 : i32
      %ne3A_95 = arith.cmpi ne, %rem3A_93, %ne3A_94 : i32
      %lt3A = arith.constant 0 : i32
      %lt3A_96 = arith.cmpi slt, %rem3A_93, %lt3A : i32
      %lt3A_97 = arith.constant 0 : i32
      %lt3A_98 = arith.cmpi slt, %select_n3A_92, %lt3A_97 : i32
      %ne3A_99 = arith.xori %lt3A_96, %lt3A_98 : i1
      %and3A_100 = arith.andi %ne3A_99, %ne3A_95 : i1
      %add3A_101 = arith.addi %rem3A_93, %select_n3A_92 : i32
      %select_n3A_102 = arith.select %and3A_100, %add3A_101, %rem3A_93 : i32
      %mul3A_103 = arith.constant 128 : i32
      %mul3A_104 = arith.muli %select_n3A_102, %mul3A_103 : i32
      %dma_wait3A = arith.constant 0 : i32
      %dma_wait3A_105 = arith.constant 0 : i32
      %dma_wait3A_106 = arith.constant 0 : i32
      %dma_wait3A_107 = tpu.memref_slice %arg6[%dma_wait3A, %dma_wait3A_105, %dma_wait3A_106] : memref<5x128x128xf32, #tpu.memory_space<vmem>> -> memref<1x128x128xf32, #tpu.memory_space<vmem>>
      %dma_wait3A_108 = tpu.memref_squeeze %dma_wait3A_107 : memref<1x128x128xf32, #tpu.memory_space<vmem>> -> memref<128x128xf32, #tpu.memory_space<vmem>>
      %dma_wait3A_109 = tpu.memref_slice %arg5[%select_n3A, %mul3A_104] : memref<50x512xi32, #tpu.memory_space<vmem>> -> memref<1x128xi32, #tpu.memory_space<vmem>>
      %dma_wait3A_110 = tpu.memref_squeeze %dma_wait3A_109 : memref<1x128xi32, #tpu.memory_space<vmem>> -> memref<128xi32, #tpu.memory_space<vmem>>
      %dma_wait3A_111 = arith.constant 0 : i32
      %dma_wait3A_112 = arith.constant 0 : i32
      %dma_wait3A_113 = tpu.memref_slice %arg3[%dma_wait3A_111, %dma_wait3A_112] : memref<1000000x128xf32, #tpu.memory_space<hbm>> -> memref<1000000x128xf32, #tpu.memory_space<hbm>>
      tpu.wait_indirect_dma semaphore(%arg7 : memref<!tpu.dma_semaphore, #tpu.memory_space<semaphore_mem>>) src(%dma_wait3A_113 : memref<1000000x128xf32, #tpu.memory_space<hbm>>) dst(%dma_wait3A_108 : memref<128x128xf32, #tpu.memory_space<vmem>>)
      %add3A_114 = arith.constant 0 : i32
      %add3A_115 = arith.addi %add3A_70, %add3A_114 : i32
      %jit3A_116 = arith.constant 4 : i32
      %div3A_117 = arith.divsi %add3A_115, %jit3A_116 : i32
      %sign3A_118 = arith.constant 0 : i32
      %sign3A_119 = arith.cmpi sgt, %add3A_115, %sign3A_118 : i32
      %sign3A_120 = arith.extui %sign3A_119 : i1 to i32
      %sign3A_121 = arith.constant 0 : i32
      %sign3A_122 = arith.cmpi slt, %add3A_115, %sign3A_121 : i32
      %sign3A_123 = arith.extui %sign3A_122 : i1 to i32
      %sign3A_124 = arith.subi %sign3A_120, %sign3A_123 : i32
      %sign3A_125 = arith.constant 0 : i32
      %sign3A_126 = arith.cmpi sgt, %jit3A_116, %sign3A_125 : i32
      %sign3A_127 = arith.extui %sign3A_126 : i1 to i32
      %sign3A_128 = arith.constant 0 : i32
      %sign3A_129 = arith.cmpi slt, %jit3A_116, %sign3A_128 : i32
      %sign3A_130 = arith.extui %sign3A_129 : i1 to i32
      %sign3A_131 = arith.subi %sign3A_127, %sign3A_130 : i32
      %ne3A_132 = arith.cmpi ne, %sign3A_124, %sign3A_131 : i32
      %rem3A_133 = arith.remsi %add3A_115, %jit3A_116 : i32
      %ne3A_134 = arith.constant 0 : i32
      %ne3A_135 = arith.cmpi ne, %rem3A_133, %ne3A_134 : i32
      %and3A_136 = arith.andi %ne3A_132, %ne3A_135 : i1
      %sub3A_137 = arith.constant 1 : i32
      %sub3A_138 = arith.subi %div3A_117, %sub3A_137 : i32
      %select_n3A_139 = arith.select %and3A_136, %sub3A_138, %div3A_117 : i32
      %jit3A_140 = arith.constant 4 : i32
      %eq3A_141 = arith.constant 0 : i32
      %eq3A_142 = arith.cmpi eq, %jit3A_140, %eq3A_141 : i32
      %jit3A_143 = arith.constant 1 : i32
      %select_n3A_144 = arith.select %eq3A_142, %jit3A_143, %jit3A_140 : i32
      %rem3A_145 = arith.remsi %add3A_115, %select_n3A_144 : i32
      %ne3A_146 = arith.constant 0 : i32
      %ne3A_147 = arith.cmpi ne, %rem3A_145, %ne3A_146 : i32
      %lt3A_148 = arith.constant 0 : i32
      %lt3A_149 = arith.cmpi slt, %rem3A_145, %lt3A_148 : i32
      %lt3A_150 = arith.constant 0 : i32
      %lt3A_151 = arith.cmpi slt, %select_n3A_144, %lt3A_150 : i32
      %ne3A_152 = arith.xori %lt3A_149, %lt3A_151 : i1
      %and3A_153 = arith.andi %ne3A_152, %ne3A_147 : i1
      %add3A_154 = arith.addi %rem3A_145, %select_n3A_144 : i32
      %select_n3A_155 = arith.select %and3A_153, %add3A_154, %rem3A_145 : i32
      %mul3A_156 = arith.constant 128 : i32
      %mul3A_157 = arith.muli %select_n3A_155, %mul3A_156 : i32
      %add3A_158 = arith.addi %mul3A_2, %mul3A_157 : i32
      %dma_start3A_159 = arith.constant 0 : i32
      %dma_start3A_160 = arith.constant 0 : i32
      %dma_start3A_161 = arith.constant 0 : i32
      %dma_start3A_162 = tpu.memref_slice %arg6[%dma_start3A_159, %dma_start3A_160, %dma_start3A_161] : memref<5x128x128xf32, #tpu.memory_space<vmem>> -> memref<1x128x128xf32, #tpu.memory_space<vmem>>
      %dma_start3A_163 = tpu.memref_squeeze %dma_start3A_162 : memref<1x128x128xf32, #tpu.memory_space<vmem>> -> memref<128x128xf32, #tpu.memory_space<vmem>>
      %dma_start3A_164 = arith.constant 0 : i32
      %dma_start3A_165 = tpu.memref_slice %arg4[%select_n3A_139, %add3A_158, %dma_start3A_164] : memref<50x16384x128xf32, #tpu.memory_space<hbm>> -> memref<1x128x128xf32, #tpu.memory_space<hbm>>
      %dma_start3A_166 = tpu.memref_squeeze %dma_start3A_165 : memref<1x128x128xf32, #tpu.memory_space<hbm>> -> memref<128x128xf32, #tpu.memory_space<hbm>>
      %dma_start3A_167 = arith.constant 0 : i32
      %dma_start3A_168 = tpu.memref_slice %arg4[%select_n3A_139, %add3A_158, %dma_start3A_167] : memref<50x16384x128xf32, #tpu.memory_space<hbm>> -> memref<1x128x128xf32, #tpu.memory_space<hbm>>
      %dma_start3A_169 = tpu.memref_squeeze %dma_start3A_168 : memref<1x128x128xf32, #tpu.memory_space<hbm>> -> memref<128x128xf32, #tpu.memory_space<hbm>>
      %dma_start3A_170 = arith.constant 0 : i32
      %dma_start3A_171 = arith.constant 0 : i32
      %dma_start3A_172 = tpu.memref_slice %arg6[%dma_start3A_159, %dma_start3A_170, %dma_start3A_171] : memref<5x128x128xf32, #tpu.memory_space<vmem>> -> memref<1x128x128xf32, #tpu.memory_space<vmem>>
      %dma_start3A_173 = tpu.memref_squeeze %dma_start3A_172 : memref<1x128x128xf32, #tpu.memory_space<vmem>> -> memref<128x128xf32, #tpu.memory_space<vmem>>
      tpu.enqueue_dma source(%dma_start3A_173 : memref<128x128xf32, #tpu.memory_space<vmem>>) target(%dma_start3A_169 : memref<128x128xf32, #tpu.memory_space<hbm>>) target_semaphore(%arg12 : memref<!tpu.dma_semaphore, #tpu.memory_space<semaphore_mem>>)
      %add3A_174 = arith.constant 1 : i32
      %add3A_175 = arith.addi %add3A_70, %add3A_174 : i32
      %jit3A_176 = arith.constant 4 : i32
      %div3A_177 = arith.divsi %add3A_175, %jit3A_176 : i32
      %sign3A_178 = arith.constant 0 : i32
      %sign3A_179 = arith.cmpi sgt, %add3A_175, %sign3A_178 : i32
      %sign3A_180 = arith.extui %sign3A_179 : i1 to i32
      %sign3A_181 = arith.constant 0 : i32
      %sign3A_182 = arith.cmpi slt, %add3A_175, %sign3A_181 : i32
      %sign3A_183 = arith.extui %sign3A_182 : i1 to i32
      %sign3A_184 = arith.subi %sign3A_180, %sign3A_183 : i32
      %sign3A_185 = arith.constant 0 : i32
      %sign3A_186 = arith.cmpi sgt, %jit3A_176, %sign3A_185 : i32
      %sign3A_187 = arith.extui %sign3A_186 : i1 to i32
      %sign3A_188 = arith.constant 0 : i32
      %sign3A_189 = arith.cmpi slt, %jit3A_176, %sign3A_188 : i32
      %sign3A_190 = arith.extui %sign3A_189 : i1 to i32
      %sign3A_191 = arith.subi %sign3A_187, %sign3A_190 : i32
      %ne3A_192 = arith.cmpi ne, %sign3A_184, %sign3A_191 : i32
      %rem3A_193 = arith.remsi %add3A_175, %jit3A_176 : i32
      %ne3A_194 = arith.constant 0 : i32
      %ne3A_195 = arith.cmpi ne, %rem3A_193, %ne3A_194 : i32
      %and3A_196 = arith.andi %ne3A_192, %ne3A_195 : i1
      %sub3A_197 = arith.constant 1 : i32
      %sub3A_198 = arith.subi %div3A_177, %sub3A_197 : i32
      %select_n3A_199 = arith.select %and3A_196, %sub3A_198, %div3A_177 : i32
      %jit3A_200 = arith.constant 4 : i32
      %eq3A_201 = arith.constant 0 : i32
      %eq3A_202 = arith.cmpi eq, %jit3A_200, %eq3A_201 : i32
      %jit3A_203 = arith.constant 1 : i32
      %select_n3A_204 = arith.select %eq3A_202, %jit3A_203, %jit3A_200 : i32
      %rem3A_205 = arith.remsi %add3A_175, %select_n3A_204 : i32
      %ne3A_206 = arith.constant 0 : i32
      %ne3A_207 = arith.cmpi ne, %rem3A_205, %ne3A_206 : i32
      %lt3A_208 = arith.constant 0 : i32
      %lt3A_209 = arith.cmpi slt, %rem3A_205, %lt3A_208 : i32
      %lt3A_210 = arith.constant 0 : i32
      %lt3A_211 = arith.cmpi slt, %select_n3A_204, %lt3A_210 : i32
      %ne3A_212 = arith.xori %lt3A_209, %lt3A_211 : i1
      %and3A_213 = arith.andi %ne3A_212, %ne3A_207 : i1
      %add3A_214 = arith.addi %rem3A_205, %select_n3A_204 : i32
      %select_n3A_215 = arith.select %and3A_213, %add3A_214, %rem3A_205 : i32
      %mul3A_216 = arith.constant 128 : i32
      %mul3A_217 = arith.muli %select_n3A_215, %mul3A_216 : i32
      %dma_wait3A_218 = arith.constant 1 : i32
      %dma_wait3A_219 = arith.constant 0 : i32
      %dma_wait3A_220 = arith.constant 0 : i32
      %dma_wait3A_221 = tpu.memref_slice %arg6[%dma_wait3A_218, %dma_wait3A_219, %dma_wait3A_220] : memref<5x128x128xf32, #tpu.memory_space<vmem>> -> memref<1x128x128xf32, #tpu.memory_space<vmem>>
      %dma_wait3A_222 = tpu.memref_squeeze %dma_wait3A_221 : memref<1x128x128xf32, #tpu.memory_space<vmem>> -> memref<128x128xf32, #tpu.memory_space<vmem>>
      %dma_wait3A_223 = tpu.memref_slice %arg5[%select_n3A_199, %mul3A_217] : memref<50x512xi32, #tpu.memory_space<vmem>> -> memref<1x128xi32, #tpu.memory_space<vmem>>
      %dma_wait3A_224 = tpu.memref_squeeze %dma_wait3A_223 : memref<1x128xi32, #tpu.memory_space<vmem>> -> memref<128xi32, #tpu.memory_space<vmem>>
      %dma_wait3A_225 = arith.constant 0 : i32
      %dma_wait3A_226 = arith.constant 0 : i32
      %dma_wait3A_227 = tpu.memref_slice %arg3[%dma_wait3A_225, %dma_wait3A_226] : memref<1000000x128xf32, #tpu.memory_space<hbm>> -> memref<1000000x128xf32, #tpu.memory_space<hbm>>
      tpu.wait_indirect_dma semaphore(%arg8 : memref<!tpu.dma_semaphore, #tpu.memory_space<semaphore_mem>>) src(%dma_wait3A_227 : memref<1000000x128xf32, #tpu.memory_space<hbm>>) dst(%dma_wait3A_222 : memref<128x128xf32, #tpu.memory_space<vmem>>)
      %add3A_228 = arith.constant 1 : i32
      %add3A_229 = arith.addi %add3A_70, %add3A_228 : i32
      %jit3A_230 = arith.constant 4 : i32
      %div3A_231 = arith.divsi %add3A_229, %jit3A_230 : i32
      %sign3A_232 = arith.constant 0 : i32
      %sign3A_233 = arith.cmpi sgt, %add3A_229, %sign3A_232 : i32
      %sign3A_234 = arith.extui %sign3A_233 : i1 to i32
      %sign3A_235 = arith.constant 0 : i32
      %sign3A_236 = arith.cmpi slt, %add3A_229, %sign3A_235 : i32
      %sign3A_237 = arith.extui %sign3A_236 : i1 to i32
      %sign3A_238 = arith.subi %sign3A_234, %sign3A_237 : i32
      %sign3A_239 = arith.constant 0 : i32
      %sign3A_240 = arith.cmpi sgt, %jit3A_230, %sign3A_239 : i32
      %sign3A_241 = arith.extui %sign3A_240 : i1 to i32
      %sign3A_242 = arith.constant 0 : i32
      %sign3A_243 = arith.cmpi slt, %jit3A_230, %sign3A_242 : i32
      %sign3A_244 = arith.extui %sign3A_243 : i1 to i32
      %sign3A_245 = arith.subi %sign3A_241, %sign3A_244 : i32
      %ne3A_246 = arith.cmpi ne, %sign3A_238, %sign3A_245 : i32
      %rem3A_247 = arith.remsi %add3A_229, %jit3A_230 : i32
      %ne3A_248 = arith.constant 0 : i32
      %ne3A_249 = arith.cmpi ne, %rem3A_247, %ne3A_248 : i32
      %and3A_250 = arith.andi %ne3A_246, %ne3A_249 : i1
      %sub3A_251 = arith.constant 1 : i32
      %sub3A_252 = arith.subi %div3A_231, %sub3A_251 : i32
      %select_n3A_253 = arith.select %and3A_250, %sub3A_252, %div3A_231 : i32
      %jit3A_254 = arith.constant 4 : i32
      %eq3A_255 = arith.constant 0 : i32
      %eq3A_256 = arith.cmpi eq, %jit3A_254, %eq3A_255 : i32
      %jit3A_257 = arith.constant 1 : i32
      %select_n3A_258 = arith.select %eq3A_256, %jit3A_257, %jit3A_254 : i32
      %rem3A_259 = arith.remsi %add3A_229, %select_n3A_258 : i32
      %ne3A_260 = arith.constant 0 : i32
      %ne3A_261 = arith.cmpi ne, %rem3A_259, %ne3A_260 : i32
      %lt3A_262 = arith.constant 0 : i32
      %lt3A_263 = arith.cmpi slt, %rem3A_259, %lt3A_262 : i32
      %lt3A_264 = arith.constant 0 : i32
      %lt3A_265 = arith.cmpi slt, %select_n3A_258, %lt3A_264 : i32
      %ne3A_266 = arith.xori %lt3A_263, %lt3A_265 : i1
      %and3A_267 = arith.andi %ne3A_266, %ne3A_261 : i1
      %add3A_268 = arith.addi %rem3A_259, %select_n3A_258 : i32
      %select_n3A_269 = arith.select %and3A_267, %add3A_268, %rem3A_259 : i32
      %mul3A_270 = arith.constant 128 : i32
      %mul3A_271 = arith.muli %select_n3A_269, %mul3A_270 : i32
      %add3A_272 = arith.addi %mul3A_2, %mul3A_271 : i32
      %dma_start3A_273 = arith.constant 1 : i32
      %dma_start3A_274 = arith.constant 0 : i32
      %dma_start3A_275 = arith.constant 0 : i32
      %dma_start3A_276 = tpu.memref_slice %arg6[%dma_start3A_273, %dma_start3A_274, %dma_start3A_275] : memref<5x128x128xf32, #tpu.memory_space<vmem>> -> memref<1x128x128xf32, #tpu.memory_space<vmem>>
      %dma_start3A_277 = tpu.memref_squeeze %dma_start3A_276 : memref<1x128x128xf32, #tpu.memory_space<vmem>> -> memref<128x128xf32, #tpu.memory_space<vmem>>
      %dma_start3A_278 = arith.constant 0 : i32
      %dma_start3A_279 = tpu.memref_slice %arg4[%select_n3A_253, %add3A_272, %dma_start3A_278] : memref<50x16384x128xf32, #tpu.memory_space<hbm>> -> memref<1x128x128xf32, #tpu.memory_space<hbm>>
      %dma_start3A_280 = tpu.memref_squeeze %dma_start3A_279 : memref<1x128x128xf32, #tpu.memory_space<hbm>> -> memref<128x128xf32, #tpu.memory_space<hbm>>
      %dma_start3A_281 = arith.constant 0 : i32
      %dma_start3A_282 = tpu.memref_slice %arg4[%select_n3A_253, %add3A_272, %dma_start3A_281] : memref<50x16384x128xf32, #tpu.memory_space<hbm>> -> memref<1x128x128xf32, #tpu.memory_space<hbm>>
      %dma_start3A_283 = tpu.memref_squeeze %dma_start3A_282 : memref<1x128x128xf32, #tpu.memory_space<hbm>> -> memref<128x128xf32, #tpu.memory_space<hbm>>
      %dma_start3A_284 = arith.constant 0 : i32
      %dma_start3A_285 = arith.constant 0 : i32
      %dma_start3A_286 = tpu.memref_slice %arg6[%dma_start3A_273, %dma_start3A_284, %dma_start3A_285] : memref<5x128x128xf32, #tpu.memory_space<vmem>> -> memref<1x128x128xf32, #tpu.memory_space<vmem>>
      %dma_start3A_287 = tpu.memref_squeeze %dma_start3A_286 : memref<1x128x128xf32, #tpu.memory_space<vmem>> -> memref<128x128xf32, #tpu.memory_space<vmem>>
      tpu.enqueue_dma source(%dma_start3A_287 : memref<128x128xf32, #tpu.memory_space<vmem>>) target(%dma_start3A_283 : memref<128x128xf32, #tpu.memory_space<hbm>>) target_semaphore(%arg13 : memref<!tpu.dma_semaphore, #tpu.memory_space<semaphore_mem>>)
      %add3A_288 = arith.constant 2 : i32
      %add3A_289 = arith.addi %add3A_70, %add3A_288 : i32
      %jit3A_290 = arith.constant 4 : i32
      %div3A_291 = arith.divsi %add3A_289, %jit3A_290 : i32
      %sign3A_292 = arith.constant 0 : i32
      %sign3A_293 = arith.cmpi sgt, %add3A_289, %sign3A_292 : i32
      %sign3A_294 = arith.extui %sign3A_293 : i1 to i32
      %sign3A_295 = arith.constant 0 : i32
      %sign3A_296 = arith.cmpi slt, %add3A_289, %sign3A_295 : i32
      %sign3A_297 = arith.extui %sign3A_296 : i1 to i32
      %sign3A_298 = arith.subi %sign3A_294, %sign3A_297 : i32
      %sign3A_299 = arith.constant 0 : i32
      %sign3A_300 = arith.cmpi sgt, %jit3A_290, %sign3A_299 : i32
      %sign3A_301 = arith.extui %sign3A_300 : i1 to i32
      %sign3A_302 = arith.constant 0 : i32
      %sign3A_303 = arith.cmpi slt, %jit3A_290, %sign3A_302 : i32
      %sign3A_304 = arith.extui %sign3A_303 : i1 to i32
      %sign3A_305 = arith.subi %sign3A_301, %sign3A_304 : i32
      %ne3A_306 = arith.cmpi ne, %sign3A_298, %sign3A_305 : i32
      %rem3A_307 = arith.remsi %add3A_289, %jit3A_290 : i32
      %ne3A_308 = arith.constant 0 : i32
      %ne3A_309 = arith.cmpi ne, %rem3A_307, %ne3A_308 : i32
      %and3A_310 = arith.andi %ne3A_306, %ne3A_309 : i1
      %sub3A_311 = arith.constant 1 : i32
      %sub3A_312 = arith.subi %div3A_291, %sub3A_311 : i32
      %select_n3A_313 = arith.select %and3A_310, %sub3A_312, %div3A_291 : i32
      %jit3A_314 = arith.constant 4 : i32
      %eq3A_315 = arith.constant 0 : i32
      %eq3A_316 = arith.cmpi eq, %jit3A_314, %eq3A_315 : i32
      %jit3A_317 = arith.constant 1 : i32
      %select_n3A_318 = arith.select %eq3A_316, %jit3A_317, %jit3A_314 : i32
      %rem3A_319 = arith.remsi %add3A_289, %select_n3A_318 : i32
      %ne3A_320 = arith.constant 0 : i32
      %ne3A_321 = arith.cmpi ne, %rem3A_319, %ne3A_320 : i32
      %lt3A_322 = arith.constant 0 : i32
      %lt3A_323 = arith.cmpi slt, %rem3A_319, %lt3A_322 : i32
      %lt3A_324 = arith.constant 0 : i32
      %lt3A_325 = arith.cmpi slt, %select_n3A_318, %lt3A_324 : i32
      %ne3A_326 = arith.xori %lt3A_323, %lt3A_325 : i1
      %and3A_327 = arith.andi %ne3A_326, %ne3A_321 : i1
      %add3A_328 = arith.addi %rem3A_319, %select_n3A_318 : i32
      %select_n3A_329 = arith.select %and3A_327, %add3A_328, %rem3A_319 : i32
      %mul3A_330 = arith.constant 128 : i32
      %mul3A_331 = arith.muli %select_n3A_329, %mul3A_330 : i32
      %dma_wait3A_332 = arith.constant 2 : i32
      %dma_wait3A_333 = arith.constant 0 : i32
      %dma_wait3A_334 = arith.constant 0 : i32
      %dma_wait3A_335 = tpu.memref_slice %arg6[%dma_wait3A_332, %dma_wait3A_333, %dma_wait3A_334] : memref<5x128x128xf32, #tpu.memory_space<vmem>> -> memref<1x128x128xf32, #tpu.memory_space<vmem>>
      %dma_wait3A_336 = tpu.memref_squeeze %dma_wait3A_335 : memref<1x128x128xf32, #tpu.memory_space<vmem>> -> memref<128x128xf32, #tpu.memory_space<vmem>>
      %dma_wait3A_337 = tpu.memref_slice %arg5[%select_n3A_313, %mul3A_331] : memref<50x512xi32, #tpu.memory_space<vmem>> -> memref<1x128xi32, #tpu.memory_space<vmem>>
      %dma_wait3A_338 = tpu.memref_squeeze %dma_wait3A_337 : memref<1x128xi32, #tpu.memory_space<vmem>> -> memref<128xi32, #tpu.memory_space<vmem>>
      %dma_wait3A_339 = arith.constant 0 : i32
      %dma_wait3A_340 = arith.constant 0 : i32
      %dma_wait3A_341 = tpu.memref_slice %arg3[%dma_wait3A_339, %dma_wait3A_340] : memref<1000000x128xf32, #tpu.memory_space<hbm>> -> memref<1000000x128xf32, #tpu.memory_space<hbm>>
      tpu.wait_indirect_dma semaphore(%arg9 : memref<!tpu.dma_semaphore, #tpu.memory_space<semaphore_mem>>) src(%dma_wait3A_341 : memref<1000000x128xf32, #tpu.memory_space<hbm>>) dst(%dma_wait3A_336 : memref<128x128xf32, #tpu.memory_space<vmem>>)
      %add3A_342 = arith.constant 2 : i32
      %add3A_343 = arith.addi %add3A_70, %add3A_342 : i32
      %jit3A_344 = arith.constant 4 : i32
      %div3A_345 = arith.divsi %add3A_343, %jit3A_344 : i32
      %sign3A_346 = arith.constant 0 : i32
      %sign3A_347 = arith.cmpi sgt, %add3A_343, %sign3A_346 : i32
      %sign3A_348 = arith.extui %sign3A_347 : i1 to i32
      %sign3A_349 = arith.constant 0 : i32
      %sign3A_350 = arith.cmpi slt, %add3A_343, %sign3A_349 : i32
      %sign3A_351 = arith.extui %sign3A_350 : i1 to i32
      %sign3A_352 = arith.subi %sign3A_348, %sign3A_351 : i32
      %sign3A_353 = arith.constant 0 : i32
      %sign3A_354 = arith.cmpi sgt, %jit3A_344, %sign3A_353 : i32
      %sign3A_355 = arith.extui %sign3A_354 : i1 to i32
      %sign3A_356 = arith.constant 0 : i32
      %sign3A_357 = arith.cmpi slt, %jit3A_344, %sign3A_356 : i32
      %sign3A_358 = arith.extui %sign3A_357 : i1 to i32
      %sign3A_359 = arith.subi %sign3A_355, %sign3A_358 : i32
      %ne3A_360 = arith.cmpi ne, %sign3A_352, %sign3A_359 : i32
      %rem3A_361 = arith.remsi %add3A_343, %jit3A_344 : i32
      %ne3A_362 = arith.constant 0 : i32
      %ne3A_363 = arith.cmpi ne, %rem3A_361, %ne3A_362 : i32
      %and3A_364 = arith.andi %ne3A_360, %ne3A_363 : i1
      %sub3A_365 = arith.constant 1 : i32
      %sub3A_366 = arith.subi %div3A_345, %sub3A_365 : i32
      %select_n3A_367 = arith.select %and3A_364, %sub3A_366, %div3A_345 : i32
      %jit3A_368 = arith.constant 4 : i32
      %eq3A_369 = arith.constant 0 : i32
      %eq3A_370 = arith.cmpi eq, %jit3A_368, %eq3A_369 : i32
      %jit3A_371 = arith.constant 1 : i32
      %select_n3A_372 = arith.select %eq3A_370, %jit3A_371, %jit3A_368 : i32
      %rem3A_373 = arith.remsi %add3A_343, %select_n3A_372 : i32
      %ne3A_374 = arith.constant 0 : i32
      %ne3A_375 = arith.cmpi ne, %rem3A_373, %ne3A_374 : i32
      %lt3A_376 = arith.constant 0 : i32
      %lt3A_377 = arith.cmpi slt, %rem3A_373, %lt3A_376 : i32
      %lt3A_378 = arith.constant 0 : i32
      %lt3A_379 = arith.cmpi slt, %select_n3A_372, %lt3A_378 : i32
      %ne3A_380 = arith.xori %lt3A_377, %lt3A_379 : i1
      %and3A_381 = arith.andi %ne3A_380, %ne3A_375 : i1
      %add3A_382 = arith.addi %rem3A_373, %select_n3A_372 : i32
      %select_n3A_383 = arith.select %and3A_381, %add3A_382, %rem3A_373 : i32
      %mul3A_384 = arith.constant 128 : i32
      %mul3A_385 = arith.muli %select_n3A_383, %mul3A_384 : i32
      %add3A_386 = arith.addi %mul3A_2, %mul3A_385 : i32
      %dma_start3A_387 = arith.constant 2 : i32
      %dma_start3A_388 = arith.constant 0 : i32
      %dma_start3A_389 = arith.constant 0 : i32
      %dma_start3A_390 = tpu.memref_slice %arg6[%dma_start3A_387, %dma_start3A_388, %dma_start3A_389] : memref<5x128x128xf32, #tpu.memory_space<vmem>> -> memref<1x128x128xf32, #tpu.memory_space<vmem>>
      %dma_start3A_391 = tpu.memref_squeeze %dma_start3A_390 : memref<1x128x128xf32, #tpu.memory_space<vmem>> -> memref<128x128xf32, #tpu.memory_space<vmem>>
      %dma_start3A_392 = arith.constant 0 : i32
      %dma_start3A_393 = tpu.memref_slice %arg4[%select_n3A_367, %add3A_386, %dma_start3A_392] : memref<50x16384x128xf32, #tpu.memory_space<hbm>> -> memref<1x128x128xf32, #tpu.memory_space<hbm>>
      %dma_start3A_394 = tpu.memref_squeeze %dma_start3A_393 : memref<1x128x128xf32, #tpu.memory_space<hbm>> -> memref<128x128xf32, #tpu.memory_space<hbm>>
      %dma_start3A_395 = arith.constant 0 : i32
      %dma_start3A_396 = tpu.memref_slice %arg4[%select_n3A_367, %add3A_386, %dma_start3A_395] : memref<50x16384x128xf32, #tpu.memory_space<hbm>> -> memref<1x128x128xf32, #tpu.memory_space<hbm>>
      %dma_start3A_397 = tpu.memref_squeeze %dma_start3A_396 : memref<1x128x128xf32, #tpu.memory_space<hbm>> -> memref<128x128xf32, #tpu.memory_space<hbm>>
      %dma_start3A_398 = arith.constant 0 : i32
      %dma_start3A_399 = arith.constant 0 : i32
      %dma_start3A_400 = tpu.memref_slice %arg6[%dma_start3A_387, %dma_start3A_398, %dma_start3A_399] : memref<5x128x128xf32, #tpu.memory_space<vmem>> -> memref<1x128x128xf32, #tpu.memory_space<vmem>>
      %dma_start3A_401 = tpu.memref_squeeze %dma_start3A_400 : memref<1x128x128xf32, #tpu.memory_space<vmem>> -> memref<128x128xf32, #tpu.memory_space<vmem>>
      tpu.enqueue_dma source(%dma_start3A_401 : memref<128x128xf32, #tpu.memory_space<vmem>>) target(%dma_start3A_397 : memref<128x128xf32, #tpu.memory_space<hbm>>) target_semaphore(%arg14 : memref<!tpu.dma_semaphore, #tpu.memory_space<semaphore_mem>>)
      %add3A_402 = arith.constant 3 : i32
      %add3A_403 = arith.addi %add3A_70, %add3A_402 : i32
      %jit3A_404 = arith.constant 4 : i32
      %div3A_405 = arith.divsi %add3A_403, %jit3A_404 : i32
      %sign3A_406 = arith.constant 0 : i32
      %sign3A_407 = arith.cmpi sgt, %add3A_403, %sign3A_406 : i32
      %sign3A_408 = arith.extui %sign3A_407 : i1 to i32
      %sign3A_409 = arith.constant 0 : i32
      %sign3A_410 = arith.cmpi slt, %add3A_403, %sign3A_409 : i32
      %sign3A_411 = arith.extui %sign3A_410 : i1 to i32
      %sign3A_412 = arith.subi %sign3A_408, %sign3A_411 : i32
      %sign3A_413 = arith.constant 0 : i32
      %sign3A_414 = arith.cmpi sgt, %jit3A_404, %sign3A_413 : i32
      %sign3A_415 = arith.extui %sign3A_414 : i1 to i32
      %sign3A_416 = arith.constant 0 : i32
      %sign3A_417 = arith.cmpi slt, %jit3A_404, %sign3A_416 : i32
      %sign3A_418 = arith.extui %sign3A_417 : i1 to i32
      %sign3A_419 = arith.subi %sign3A_415, %sign3A_418 : i32
      %ne3A_420 = arith.cmpi ne, %sign3A_412, %sign3A_419 : i32
      %rem3A_421 = arith.remsi %add3A_403, %jit3A_404 : i32
      %ne3A_422 = arith.constant 0 : i32
      %ne3A_423 = arith.cmpi ne, %rem3A_421, %ne3A_422 : i32
      %and3A_424 = arith.andi %ne3A_420, %ne3A_423 : i1
      %sub3A_425 = arith.constant 1 : i32
      %sub3A_426 = arith.subi %div3A_405, %sub3A_425 : i32
      %select_n3A_427 = arith.select %and3A_424, %sub3A_426, %div3A_405 : i32
      %jit3A_428 = arith.constant 4 : i32
      %eq3A_429 = arith.constant 0 : i32
      %eq3A_430 = arith.cmpi eq, %jit3A_428, %eq3A_429 : i32
      %jit3A_431 = arith.constant 1 : i32
      %select_n3A_432 = arith.select %eq3A_430, %jit3A_431, %jit3A_428 : i32
      %rem3A_433 = arith.remsi %add3A_403, %select_n3A_432 : i32
      %ne3A_434 = arith.constant 0 : i32
      %ne3A_435 = arith.cmpi ne, %rem3A_433, %ne3A_434 : i32
      %lt3A_436 = arith.constant 0 : i32
      %lt3A_437 = arith.cmpi slt, %rem3A_433, %lt3A_436 : i32
      %lt3A_438 = arith.constant 0 : i32
      %lt3A_439 = arith.cmpi slt, %select_n3A_432, %lt3A_438 : i32
      %ne3A_440 = arith.xori %lt3A_437, %lt3A_439 : i1
      %and3A_441 = arith.andi %ne3A_440, %ne3A_435 : i1
      %add3A_442 = arith.addi %rem3A_433, %select_n3A_432 : i32
      %select_n3A_443 = arith.select %and3A_441, %add3A_442, %rem3A_433 : i32
      %mul3A_444 = arith.constant 128 : i32
      %mul3A_445 = arith.muli %select_n3A_443, %mul3A_444 : i32
      %dma_wait3A_446 = arith.constant 3 : i32
      %dma_wait3A_447 = arith.constant 0 : i32
      %dma_wait3A_448 = arith.constant 0 : i32
      %dma_wait3A_449 = tpu.memref_slice %arg6[%dma_wait3A_446, %dma_wait3A_447, %dma_wait3A_448] : memref<5x128x128xf32, #tpu.memory_space<vmem>> -> memref<1x128x128xf32, #tpu.memory_space<vmem>>
      %dma_wait3A_450 = tpu.memref_squeeze %dma_wait3A_449 : memref<1x128x128xf32, #tpu.memory_space<vmem>> -> memref<128x128xf32, #tpu.memory_space<vmem>>
      %dma_wait3A_451 = tpu.memref_slice %arg5[%select_n3A_427, %mul3A_445] : memref<50x512xi32, #tpu.memory_space<vmem>> -> memref<1x128xi32, #tpu.memory_space<vmem>>
      %dma_wait3A_452 = tpu.memref_squeeze %dma_wait3A_451 : memref<1x128xi32, #tpu.memory_space<vmem>> -> memref<128xi32, #tpu.memory_space<vmem>>
      %dma_wait3A_453 = arith.constant 0 : i32
      %dma_wait3A_454 = arith.constant 0 : i32
      %dma_wait3A_455 = tpu.memref_slice %arg3[%dma_wait3A_453, %dma_wait3A_454] : memref<1000000x128xf32, #tpu.memory_space<hbm>> -> memref<1000000x128xf32, #tpu.memory_space<hbm>>
      tpu.wait_indirect_dma semaphore(%arg10 : memref<!tpu.dma_semaphore, #tpu.memory_space<semaphore_mem>>) src(%dma_wait3A_455 : memref<1000000x128xf32, #tpu.memory_space<hbm>>) dst(%dma_wait3A_450 : memref<128x128xf32, #tpu.memory_space<vmem>>)
      %add3A_456 = arith.constant 3 : i32
      %add3A_457 = arith.addi %add3A_70, %add3A_456 : i32
      %jit3A_458 = arith.constant 4 : i32
      %div3A_459 = arith.divsi %add3A_457, %jit3A_458 : i32
      %sign3A_460 = arith.constant 0 : i32
      %sign3A_461 = arith.cmpi sgt, %add3A_457, %sign3A_460 : i32
      %sign3A_462 = arith.extui %sign3A_461 : i1 to i32
      %sign3A_463 = arith.constant 0 : i32
      %sign3A_464 = arith.cmpi slt, %add3A_457, %sign3A_463 : i32
      %sign3A_465 = arith.extui %sign3A_464 : i1 to i32
      %sign3A_466 = arith.subi %sign3A_462, %sign3A_465 : i32
      %sign3A_467 = arith.constant 0 : i32
      %sign3A_468 = arith.cmpi sgt, %jit3A_458, %sign3A_467 : i32
      %sign3A_469 = arith.extui %sign3A_468 : i1 to i32
      %sign3A_470 = arith.constant 0 : i32
      %sign3A_471 = arith.cmpi slt, %jit3A_458, %sign3A_470 : i32
      %sign3A_472 = arith.extui %sign3A_471 : i1 to i32
      %sign3A_473 = arith.subi %sign3A_469, %sign3A_472 : i32
      %ne3A_474 = arith.cmpi ne, %sign3A_466, %sign3A_473 : i32
      %rem3A_475 = arith.remsi %add3A_457, %jit3A_458 : i32
      %ne3A_476 = arith.constant 0 : i32
      %ne3A_477 = arith.cmpi ne, %rem3A_475, %ne3A_476 : i32
      %and3A_478 = arith.andi %ne3A_474, %ne3A_477 : i1
      %sub3A_479 = arith.constant 1 : i32
      %sub3A_480 = arith.subi %div3A_459, %sub3A_479 : i32
      %select_n3A_481 = arith.select %and3A_478, %sub3A_480, %div3A_459 : i32
      %jit3A_482 = arith.constant 4 : i32
      %eq3A_483 = arith.constant 0 : i32
      %eq3A_484 = arith.cmpi eq, %jit3A_482, %eq3A_483 : i32
      %jit3A_485 = arith.constant 1 : i32
      %select_n3A_486 = arith.select %eq3A_484, %jit3A_485, %jit3A_482 : i32
      %rem3A_487 = arith.remsi %add3A_457, %select_n3A_486 : i32
      %ne3A_488 = arith.constant 0 : i32
      %ne3A_489 = arith.cmpi ne, %rem3A_487, %ne3A_488 : i32
      %lt3A_490 = arith.constant 0 : i32
      %lt3A_491 = arith.cmpi slt, %rem3A_487, %lt3A_490 : i32
      %lt3A_492 = arith.constant 0 : i32
      %lt3A_493 = arith.cmpi slt, %select_n3A_486, %lt3A_492 : i32
      %ne3A_494 = arith.xori %lt3A_491, %lt3A_493 : i1
      %and3A_495 = arith.andi %ne3A_494, %ne3A_489 : i1
      %add3A_496 = arith.addi %rem3A_487, %select_n3A_486 : i32
      %select_n3A_497 = arith.select %and3A_495, %add3A_496, %rem3A_487 : i32
      %mul3A_498 = arith.constant 128 : i32
      %mul3A_499 = arith.muli %select_n3A_497, %mul3A_498 : i32
      %add3A_500 = arith.addi %mul3A_2, %mul3A_499 : i32
      %dma_start3A_501 = arith.constant 3 : i32
      %dma_start3A_502 = arith.constant 0 : i32
      %dma_start3A_503 = arith.constant 0 : i32
      %dma_start3A_504 = tpu.memref_slice %arg6[%dma_start3A_501, %dma_start3A_502, %dma_start3A_503] : memref<5x128x128xf32, #tpu.memory_space<vmem>> -> memref<1x128x128xf32, #tpu.memory_space<vmem>>
      %dma_start3A_505 = tpu.memref_squeeze %dma_start3A_504 : memref<1x128x128xf32, #tpu.memory_space<vmem>> -> memref<128x128xf32, #tpu.memory_space<vmem>>
      %dma_start3A_506 = arith.constant 0 : i32
      %dma_start3A_507 = tpu.memref_slice %arg4[%select_n3A_481, %add3A_500, %dma_start3A_506] : memref<50x16384x128xf32, #tpu.memory_space<hbm>> -> memref<1x128x128xf32, #tpu.memory_space<hbm>>
      %dma_start3A_508 = tpu.memref_squeeze %dma_start3A_507 : memref<1x128x128xf32, #tpu.memory_space<hbm>> -> memref<128x128xf32, #tpu.memory_space<hbm>>
      %dma_start3A_509 = arith.constant 0 : i32
      %dma_start3A_510 = tpu.memref_slice %arg4[%select_n3A_481, %add3A_500, %dma_start3A_509] : memref<50x16384x128xf32, #tpu.memory_space<hbm>> -> memref<1x128x128xf32, #tpu.memory_space<hbm>>
      %dma_start3A_511 = tpu.memref_squeeze %dma_start3A_510 : memref<1x128x128xf32, #tpu.memory_space<hbm>> -> memref<128x128xf32, #tpu.memory_space<hbm>>
      %dma_start3A_512 = arith.constant 0 : i32
      %dma_start3A_513 = arith.constant 0 : i32
      %dma_start3A_514 = tpu.memref_slice %arg6[%dma_start3A_501, %dma_start3A_512, %dma_start3A_513] : memref<5x128x128xf32, #tpu.memory_space<vmem>> -> memref<1x128x128xf32, #tpu.memory_space<vmem>>
      %dma_start3A_515 = tpu.memref_squeeze %dma_start3A_514 : memref<1x128x128xf32, #tpu.memory_space<vmem>> -> memref<128x128xf32, #tpu.memory_space<vmem>>
      tpu.enqueue_dma source(%dma_start3A_515 : memref<128x128xf32, #tpu.memory_space<vmem>>) target(%dma_start3A_511 : memref<128x128xf32, #tpu.memory_space<hbm>>) target_semaphore(%arg15 : memref<!tpu.dma_semaphore, #tpu.memory_space<semaphore_mem>>)
      %add3A_516 = arith.constant 4 : i32
      %add3A_517 = arith.addi %add3A_70, %add3A_516 : i32
      %jit3A_518 = arith.constant 4 : i32
      %div3A_519 = arith.divsi %add3A_517, %jit3A_518 : i32
      %sign3A_520 = arith.constant 0 : i32
      %sign3A_521 = arith.cmpi sgt, %add3A_517, %sign3A_520 : i32
      %sign3A_522 = arith.extui %sign3A_521 : i1 to i32
      %sign3A_523 = arith.constant 0 : i32
      %sign3A_524 = arith.cmpi slt, %add3A_517, %sign3A_523 : i32
      %sign3A_525 = arith.extui %sign3A_524 : i1 to i32
      %sign3A_526 = arith.subi %sign3A_522, %sign3A_525 : i32
      %sign3A_527 = arith.constant 0 : i32
      %sign3A_528 = arith.cmpi sgt, %jit3A_518, %sign3A_527 : i32
      %sign3A_529 = arith.extui %sign3A_528 : i1 to i32
      %sign3A_530 = arith.constant 0 : i32
      %sign3A_531 = arith.cmpi slt, %jit3A_518, %sign3A_530 : i32
      %sign3A_532 = arith.extui %sign3A_531 : i1 to i32
      %sign3A_533 = arith.subi %sign3A_529, %sign3A_532 : i32
      %ne3A_534 = arith.cmpi ne, %sign3A_526, %sign3A_533 : i32
      %rem3A_535 = arith.remsi %add3A_517, %jit3A_518 : i32
      %ne3A_536 = arith.constant 0 : i32
      %ne3A_537 = arith.cmpi ne, %rem3A_535, %ne3A_536 : i32
      %and3A_538 = arith.andi %ne3A_534, %ne3A_537 : i1
      %sub3A_539 = arith.constant 1 : i32
      %sub3A_540 = arith.subi %div3A_519, %sub3A_539 : i32
      %select_n3A_541 = arith.select %and3A_538, %sub3A_540, %div3A_519 : i32
      %jit3A_542 = arith.constant 4 : i32
      %eq3A_543 = arith.constant 0 : i32
      %eq3A_544 = arith.cmpi eq, %jit3A_542, %eq3A_543 : i32
      %jit3A_545 = arith.constant 1 : i32
      %select_n3A_546 = arith.select %eq3A_544, %jit3A_545, %jit3A_542 : i32
      %rem3A_547 = arith.remsi %add3A_517, %select_n3A_546 : i32
      %ne3A_548 = arith.constant 0 : i32
      %ne3A_549 = arith.cmpi ne, %rem3A_547, %ne3A_548 : i32
      %lt3A_550 = arith.constant 0 : i32
      %lt3A_551 = arith.cmpi slt, %rem3A_547, %lt3A_550 : i32
      %lt3A_552 = arith.constant 0 : i32
      %lt3A_553 = arith.cmpi slt, %select_n3A_546, %lt3A_552 : i32
      %ne3A_554 = arith.xori %lt3A_551, %lt3A_553 : i1
      %and3A_555 = arith.andi %ne3A_554, %ne3A_549 : i1
      %add3A_556 = arith.addi %rem3A_547, %select_n3A_546 : i32
      %select_n3A_557 = arith.select %and3A_555, %add3A_556, %rem3A_547 : i32
      %mul3A_558 = arith.constant 128 : i32
      %mul3A_559 = arith.muli %select_n3A_557, %mul3A_558 : i32
      %dma_wait3A_560 = arith.constant 4 : i32
      %dma_wait3A_561 = arith.constant 0 : i32
      %dma_wait3A_562 = arith.constant 0 : i32
      %dma_wait3A_563 = tpu.memref_slice %arg6[%dma_wait3A_560, %dma_wait3A_561, %dma_wait3A_562] : memref<5x128x128xf32, #tpu.memory_space<vmem>> -> memref<1x128x128xf32, #tpu.memory_space<vmem>>
      %dma_wait3A_564 = tpu.memref_squeeze %dma_wait3A_563 : memref<1x128x128xf32, #tpu.memory_space<vmem>> -> memref<128x128xf32, #tpu.memory_space<vmem>>
      %dma_wait3A_565 = tpu.memref_slice %arg5[%select_n3A_541, %mul3A_559] : memref<50x512xi32, #tpu.memory_space<vmem>> -> memref<1x128xi32, #tpu.memory_space<vmem>>
      %dma_wait3A_566 = tpu.memref_squeeze %dma_wait3A_565 : memref<1x128xi32, #tpu.memory_space<vmem>> -> memref<128xi32, #tpu.memory_space<vmem>>
      %dma_wait3A_567 = arith.constant 0 : i32
      %dma_wait3A_568 = arith.constant 0 : i32
      %dma_wait3A_569 = tpu.memref_slice %arg3[%dma_wait3A_567, %dma_wait3A_568] : memref<1000000x128xf32, #tpu.memory_space<hbm>> -> memref<1000000x128xf32, #tpu.memory_space<hbm>>
      tpu.wait_indirect_dma semaphore(%arg11 : memref<!tpu.dma_semaphore, #tpu.memory_space<semaphore_mem>>) src(%dma_wait3A_569 : memref<1000000x128xf32, #tpu.memory_space<hbm>>) dst(%dma_wait3A_564 : memref<128x128xf32, #tpu.memory_space<vmem>>)
      %add3A_570 = arith.constant 4 : i32
      %add3A_571 = arith.addi %add3A_70, %add3A_570 : i32
      %jit3A_572 = arith.constant 4 : i32
      %div3A_573 = arith.divsi %add3A_571, %jit3A_572 : i32
      %sign3A_574 = arith.constant 0 : i32
      %sign3A_575 = arith.cmpi sgt, %add3A_571, %sign3A_574 : i32
      %sign3A_576 = arith.extui %sign3A_575 : i1 to i32
      %sign3A_577 = arith.constant 0 : i32
      %sign3A_578 = arith.cmpi slt, %add3A_571, %sign3A_577 : i32
      %sign3A_579 = arith.extui %sign3A_578 : i1 to i32
      %sign3A_580 = arith.subi %sign3A_576, %sign3A_579 : i32
      %sign3A_581 = arith.constant 0 : i32
      %sign3A_582 = arith.cmpi sgt, %jit3A_572, %sign3A_581 : i32
      %sign3A_583 = arith.extui %sign3A_582 : i1 to i32
      %sign3A_584 = arith.constant 0 : i32
      %sign3A_585 = arith.cmpi slt, %jit3A_572, %sign3A_584 : i32
      %sign3A_586 = arith.extui %sign3A_585 : i1 to i32
      %sign3A_587 = arith.subi %sign3A_583, %sign3A_586 : i32
      %ne3A_588 = arith.cmpi ne, %sign3A_580, %sign3A_587 : i32
      %rem3A_589 = arith.remsi %add3A_571, %jit3A_572 : i32
      %ne3A_590 = arith.constant 0 : i32
      %ne3A_591 = arith.cmpi ne, %rem3A_589, %ne3A_590 : i32
      %and3A_592 = arith.andi %ne3A_588, %ne3A_591 : i1
      %sub3A_593 = arith.constant 1 : i32
      %sub3A_594 = arith.subi %div3A_573, %sub3A_593 : i32
      %select_n3A_595 = arith.select %and3A_592, %sub3A_594, %div3A_573 : i32
      %jit3A_596 = arith.constant 4 : i32
      %eq3A_597 = arith.constant 0 : i32
      %eq3A_598 = arith.cmpi eq, %jit3A_596, %eq3A_597 : i32
      %jit3A_599 = arith.constant 1 : i32
      %select_n3A_600 = arith.select %eq3A_598, %jit3A_599, %jit3A_596 : i32
      %rem3A_601 = arith.remsi %add3A_571, %select_n3A_600 : i32
      %ne3A_602 = arith.constant 0 : i32
      %ne3A_603 = arith.cmpi ne, %rem3A_601, %ne3A_602 : i32
      %lt3A_604 = arith.constant 0 : i32
      %lt3A_605 = arith.cmpi slt, %rem3A_601, %lt3A_604 : i32
      %lt3A_606 = arith.constant 0 : i32
      %lt3A_607 = arith.cmpi slt, %select_n3A_600, %lt3A_606 : i32
      %ne3A_608 = arith.xori %lt3A_605, %lt3A_607 : i1
      %and3A_609 = arith.andi %ne3A_608, %ne3A_603 : i1
      %add3A_610 = arith.addi %rem3A_601, %select_n3A_600 : i32
      %select_n3A_611 = arith.select %and3A_609, %add3A_610, %rem3A_601 : i32
      %mul3A_612 = arith.constant 128 : i32
      %mul3A_613 = arith.muli %select_n3A_611, %mul3A_612 : i32
      %add3A_614 = arith.addi %mul3A_2, %mul3A_613 : i32
      %dma_start3A_615 = arith.constant 4 : i32
      %dma_start3A_616 = arith.constant 0 : i32
      %dma_start3A_617 = arith.constant 0 : i32
      %dma_start3A_618 = tpu.memref_slice %arg6[%dma_start3A_615, %dma_start3A_616, %dma_start3A_617] : memref<5x128x128xf32, #tpu.memory_space<vmem>> -> memref<1x128x128xf32, #tpu.memory_space<vmem>>
      %dma_start3A_619 = tpu.memref_squeeze %dma_start3A_618 : memref<1x128x128xf32, #tpu.memory_space<vmem>> -> memref<128x128xf32, #tpu.memory_space<vmem>>
      %dma_start3A_620 = arith.constant 0 : i32
      %dma_start3A_621 = tpu.memref_slice %arg4[%select_n3A_595, %add3A_614, %dma_start3A_620] : memref<50x16384x128xf32, #tpu.memory_space<hbm>> -> memref<1x128x128xf32, #tpu.memory_space<hbm>>
      %dma_start3A_622 = tpu.memref_squeeze %dma_start3A_621 : memref<1x128x128xf32, #tpu.memory_space<hbm>> -> memref<128x128xf32, #tpu.memory_space<hbm>>
      %dma_start3A_623 = arith.constant 0 : i32
      %dma_start3A_624 = tpu.memref_slice %arg4[%select_n3A_595, %add3A_614, %dma_start3A_623] : memref<50x16384x128xf32, #tpu.memory_space<hbm>> -> memref<1x128x128xf32, #tpu.memory_space<hbm>>
      %dma_start3A_625 = tpu.memref_squeeze %dma_start3A_624 : memref<1x128x128xf32, #tpu.memory_space<hbm>> -> memref<128x128xf32, #tpu.memory_space<hbm>>
      %dma_start3A_626 = arith.constant 0 : i32
      %dma_start3A_627 = arith.constant 0 : i32
      %dma_start3A_628 = tpu.memref_slice %arg6[%dma_start3A_615, %dma_start3A_626, %dma_start3A_627] : memref<5x128x128xf32, #tpu.memory_space<vmem>> -> memref<1x128x128xf32, #tpu.memory_space<vmem>>
      %dma_start3A_629 = tpu.memref_squeeze %dma_start3A_628 : memref<1x128x128xf32, #tpu.memory_space<vmem>> -> memref<128x128xf32, #tpu.memory_space<vmem>>
      tpu.enqueue_dma source(%dma_start3A_629 : memref<128x128xf32, #tpu.memory_space<vmem>>) target(%dma_start3A_625 : memref<128x128xf32, #tpu.memory_space<hbm>>) target_semaphore(%arg16 : memref<!tpu.dma_semaphore, #tpu.memory_space<semaphore_mem>>)
      %add3A_630 = arith.constant 0 : i32
      %add3A_631 = arith.addi %add3A_70, %add3A_630 : i32
      %jit3A_632 = arith.constant 4 : i32
      %div3A_633 = arith.divsi %add3A_631, %jit3A_632 : i32
      %sign3A_634 = arith.constant 0 : i32
      %sign3A_635 = arith.cmpi sgt, %add3A_631, %sign3A_634 : i32
      %sign3A_636 = arith.extui %sign3A_635 : i1 to i32
      %sign3A_637 = arith.constant 0 : i32
      %sign3A_638 = arith.cmpi slt, %add3A_631, %sign3A_637 : i32
      %sign3A_639 = arith.extui %sign3A_638 : i1 to i32
      %sign3A_640 = arith.subi %sign3A_636, %sign3A_639 : i32
      %sign3A_641 = arith.constant 0 : i32
      %sign3A_642 = arith.cmpi sgt, %jit3A_632, %sign3A_641 : i32
      %sign3A_643 = arith.extui %sign3A_642 : i1 to i32
      %sign3A_644 = arith.constant 0 : i32
      %sign3A_645 = arith.cmpi slt, %jit3A_632, %sign3A_644 : i32
      %sign3A_646 = arith.extui %sign3A_645 : i1 to i32
      %sign3A_647 = arith.subi %sign3A_643, %sign3A_646 : i32
      %ne3A_648 = arith.cmpi ne, %sign3A_640, %sign3A_647 : i32
      %rem3A_649 = arith.remsi %add3A_631, %jit3A_632 : i32
      %ne3A_650 = arith.constant 0 : i32
      %ne3A_651 = arith.cmpi ne, %rem3A_649, %ne3A_650 : i32
      %and3A_652 = arith.andi %ne3A_648, %ne3A_651 : i1
      %sub3A_653 = arith.constant 1 : i32
      %sub3A_654 = arith.subi %div3A_633, %sub3A_653 : i32
      %select_n3A_655 = arith.select %and3A_652, %sub3A_654, %div3A_633 : i32
      %jit3A_656 = arith.constant 4 : i32
      %eq3A_657 = arith.constant 0 : i32
      %eq3A_658 = arith.cmpi eq, %jit3A_656, %eq3A_657 : i32
      %jit3A_659 = arith.constant 1 : i32
      %select_n3A_660 = arith.select %eq3A_658, %jit3A_659, %jit3A_656 : i32
      %rem3A_661 = arith.remsi %add3A_631, %select_n3A_660 : i32
      %ne3A_662 = arith.constant 0 : i32
      %ne3A_663 = arith.cmpi ne, %rem3A_661, %ne3A_662 : i32
      %lt3A_664 = arith.constant 0 : i32
      %lt3A_665 = arith.cmpi slt, %rem3A_661, %lt3A_664 : i32
      %lt3A_666 = arith.constant 0 : i32
      %lt3A_667 = arith.cmpi slt, %select_n3A_660, %lt3A_666 : i32
      %ne3A_668 = arith.xori %lt3A_665, %lt3A_667 : i1
      %and3A_669 = arith.andi %ne3A_668, %ne3A_663 : i1
      %add3A_670 = arith.addi %rem3A_661, %select_n3A_660 : i32
      %select_n3A_671 = arith.select %and3A_669, %add3A_670, %rem3A_661 : i32
      %mul3A_672 = arith.constant 128 : i32
      %mul3A_673 = arith.muli %select_n3A_671, %mul3A_672 : i32
      %add3A_674 = arith.addi %mul3A_2, %mul3A_673 : i32
      %dma_wait3A_675 = arith.constant 0 : i32
      %dma_wait3A_676 = arith.constant 0 : i32
      %dma_wait3A_677 = arith.constant 0 : i32
      %dma_wait3A_678 = tpu.memref_slice %arg6[%dma_wait3A_675, %dma_wait3A_676, %dma_wait3A_677] : memref<5x128x128xf32, #tpu.memory_space<vmem>> -> memref<1x128x128xf32, #tpu.memory_space<vmem>>
      %dma_wait3A_679 = tpu.memref_squeeze %dma_wait3A_678 : memref<1x128x128xf32, #tpu.memory_space<vmem>> -> memref<128x128xf32, #tpu.memory_space<vmem>>
      %dma_wait3A_680 = arith.constant 0 : i32
      %dma_wait3A_681 = tpu.memref_slice %arg4[%select_n3A_655, %add3A_674, %dma_wait3A_680] : memref<50x16384x128xf32, #tpu.memory_space<hbm>> -> memref<1x128x128xf32, #tpu.memory_space<hbm>>
      %dma_wait3A_682 = tpu.memref_squeeze %dma_wait3A_681 : memref<1x128x128xf32, #tpu.memory_space<hbm>> -> memref<128x128xf32, #tpu.memory_space<hbm>>
      %dma_wait3A_683 = arith.constant 0 : i32
      %dma_wait3A_684 = tpu.memref_slice %arg4[%select_n3A_655, %add3A_674, %dma_wait3A_683] : memref<50x16384x128xf32, #tpu.memory_space<hbm>> -> memref<1x128x128xf32, #tpu.memory_space<hbm>>
      %dma_wait3A_685 = tpu.memref_squeeze %dma_wait3A_684 : memref<1x128x128xf32, #tpu.memory_space<hbm>> -> memref<128x128xf32, #tpu.memory_space<hbm>>
      %dma_wait3A_686 = arith.constant 0 : i32
      %dma_wait3A_687 = arith.constant 0 : i32
      %dma_wait3A_688 = tpu.memref_slice %arg6[%dma_wait3A_675, %dma_wait3A_686, %dma_wait3A_687] : memref<5x128x128xf32, #tpu.memory_space<vmem>> -> memref<1x128x128xf32, #tpu.memory_space<vmem>>
      %dma_wait3A_689 = tpu.memref_squeeze %dma_wait3A_688 : memref<1x128x128xf32, #tpu.memory_space<vmem>> -> memref<128x128xf32, #tpu.memory_space<vmem>>
      tpu.wait_dma2 semaphore(%arg12 : memref<!tpu.dma_semaphore, #tpu.memory_space<semaphore_mem>>) src(%dma_wait3A_689 : memref<128x128xf32, #tpu.memory_space<vmem>>) dst(%dma_wait3A_685 : memref<128x128xf32, #tpu.memory_space<hbm>>)
      %add3A_690 = arith.constant 5 : i32
      %add3A_691 = arith.addi %add3A_70, %add3A_690 : i32
      %add3A_692 = arith.constant 0 : i32
      %add3A_693 = arith.addi %add3A_691, %add3A_692 : i32
      %lt3A_694 = arith.constant 200 : i32
      %lt3A_695 = arith.cmpi slt, %add3A_693, %lt3A_694 : i32
      %convert_element_type3A = arith.extui %lt3A_695 : i1 to i32
      %cond3A = arith.constant 0 : i32
      %cond3A_696 = arith.cmpi ne, %convert_element_type3A, %cond3A : i32
      scf.if %cond3A_696 {
        %add3A_973 = arith.constant 5 : i32
        %add3A_974 = arith.addi %add3A_70, %add3A_973 : i32
        %add3A_975 = arith.constant 0 : i32
        %add3A_976 = arith.addi %add3A_974, %add3A_975 : i32
        %jit3A_977 = arith.constant 4 : i32
        %div3A_978 = arith.divsi %add3A_976, %jit3A_977 : i32
        %sign3A_979 = arith.constant 0 : i32
        %sign3A_980 = arith.cmpi sgt, %add3A_976, %sign3A_979 : i32
        %sign3A_981 = arith.extui %sign3A_980 : i1 to i32
        %sign3A_982 = arith.constant 0 : i32
        %sign3A_983 = arith.cmpi slt, %add3A_976, %sign3A_982 : i32
        %sign3A_984 = arith.extui %sign3A_983 : i1 to i32
        %sign3A_985 = arith.subi %sign3A_981, %sign3A_984 : i32
        %sign3A_986 = arith.constant 0 : i32
        %sign3A_987 = arith.cmpi sgt, %jit3A_977, %sign3A_986 : i32
        %sign3A_988 = arith.extui %sign3A_987 : i1 to i32
        %sign3A_989 = arith.constant 0 : i32
        %sign3A_990 = arith.cmpi slt, %jit3A_977, %sign3A_989 : i32
        %sign3A_991 = arith.extui %sign3A_990 : i1 to i32
        %sign3A_992 = arith.subi %sign3A_988, %sign3A_991 : i32
        %ne3A_993 = arith.cmpi ne, %sign3A_985, %sign3A_992 : i32
        %rem3A_994 = arith.remsi %add3A_976, %jit3A_977 : i32
        %ne3A_995 = arith.constant 0 : i32
        %ne3A_996 = arith.cmpi ne, %rem3A_994, %ne3A_995 : i32
        %and3A_997 = arith.andi %ne3A_993, %ne3A_996 : i1
        %sub3A_998 = arith.constant 1 : i32
        %sub3A_999 = arith.subi %div3A_978, %sub3A_998 : i32
        %select_n3A_1000 = arith.select %and3A_997, %sub3A_999, %div3A_978 : i32
        %jit3A_1001 = arith.constant 4 : i32
        %eq3A_1002 = arith.constant 0 : i32
        %eq3A_1003 = arith.cmpi eq, %jit3A_1001, %eq3A_1002 : i32
        %jit3A_1004 = arith.constant 1 : i32
        %select_n3A_1005 = arith.select %eq3A_1003, %jit3A_1004, %jit3A_1001 : i32
        %rem3A_1006 = arith.remsi %add3A_976, %select_n3A_1005 : i32
        %ne3A_1007 = arith.constant 0 : i32
        %ne3A_1008 = arith.cmpi ne, %rem3A_1006, %ne3A_1007 : i32
        %lt3A_1009 = arith.constant 0 : i32
        %lt3A_1010 = arith.cmpi slt, %rem3A_1006, %lt3A_1009 : i32
        %lt3A_1011 = arith.constant 0 : i32
        %lt3A_1012 = arith.cmpi slt, %select_n3A_1005, %lt3A_1011 : i32
        %ne3A_1013 = arith.xori %lt3A_1010, %lt3A_1012 : i1
        %and3A_1014 = arith.andi %ne3A_1013, %ne3A_1008 : i1
        %add3A_1015 = arith.addi %rem3A_1006, %select_n3A_1005 : i32
        %select_n3A_1016 = arith.select %and3A_1014, %add3A_1015, %rem3A_1006 : i32
        %mul3A_1017 = arith.constant 128 : i32
        %mul3A_1018 = arith.muli %select_n3A_1016, %mul3A_1017 : i32
        %dma_start3A_1019 = arith.constant 0 : i32
        %dma_start3A_1020 = arith.constant 0 : i32
        %dma_start3A_1021 = arith.constant 0 : i32
        %dma_start3A_1022 = tpu.memref_slice %arg6[%dma_start3A_1019, %dma_start3A_1020, %dma_start3A_1021] : memref<5x128x128xf32, #tpu.memory_space<vmem>> -> memref<1x128x128xf32, #tpu.memory_space<vmem>>
        %dma_start3A_1023 = tpu.memref_squeeze %dma_start3A_1022 : memref<1x128x128xf32, #tpu.memory_space<vmem>> -> memref<128x128xf32, #tpu.memory_space<vmem>>
        %dma_start3A_1024 = tpu.memref_slice %arg5[%select_n3A_1000, %mul3A_1018] : memref<50x512xi32, #tpu.memory_space<vmem>> -> memref<1x128xi32, #tpu.memory_space<vmem>>
        %dma_start3A_1025 = tpu.memref_squeeze %dma_start3A_1024 : memref<1x128xi32, #tpu.memory_space<vmem>> -> memref<128xi32, #tpu.memory_space<vmem>>
        %dma_start3A_1026 = arith.constant 0 : i32
        %dma_start3A_1027 = arith.constant 0 : i32
        %dma_start3A_1028 = tpu.memref_slice %arg3[%dma_start3A_1026, %dma_start3A_1027] : memref<1000000x128xf32, #tpu.memory_space<hbm>> -> memref<1000000x128xf32, #tpu.memory_space<hbm>>
        tpu.enqueue_indirect_dma source(%dma_start3A_1028 : memref<1000000x128xf32, #tpu.memory_space<hbm>>) target(%dma_start3A_1023 : memref<128x128xf32, #tpu.memory_space<vmem>>) offsets(%dma_start3A_1025 : memref<128xi32, #tpu.memory_space<vmem>>) semaphore(%arg7 : memref<!tpu.dma_semaphore, #tpu.memory_space<semaphore_mem>>)
      } else {
      }
      %add3A_697 = arith.constant 1 : i32
      %add3A_698 = arith.addi %add3A_70, %add3A_697 : i32
      %jit3A_699 = arith.constant 4 : i32
      %div3A_700 = arith.divsi %add3A_698, %jit3A_699 : i32
      %sign3A_701 = arith.constant 0 : i32
      %sign3A_702 = arith.cmpi sgt, %add3A_698, %sign3A_701 : i32
      %sign3A_703 = arith.extui %sign3A_702 : i1 to i32
      %sign3A_704 = arith.constant 0 : i32
      %sign3A_705 = arith.cmpi slt, %add3A_698, %sign3A_704 : i32
      %sign3A_706 = arith.extui %sign3A_705 : i1 to i32
      %sign3A_707 = arith.subi %sign3A_703, %sign3A_706 : i32
      %sign3A_708 = arith.constant 0 : i32
      %sign3A_709 = arith.cmpi sgt, %jit3A_699, %sign3A_708 : i32
      %sign3A_710 = arith.extui %sign3A_709 : i1 to i32
      %sign3A_711 = arith.constant 0 : i32
      %sign3A_712 = arith.cmpi slt, %jit3A_699, %sign3A_711 : i32
      %sign3A_713 = arith.extui %sign3A_712 : i1 to i32
      %sign3A_714 = arith.subi %sign3A_710, %sign3A_713 : i32
      %ne3A_715 = arith.cmpi ne, %sign3A_707, %sign3A_714 : i32
      %rem3A_716 = arith.remsi %add3A_698, %jit3A_699 : i32
      %ne3A_717 = arith.constant 0 : i32
      %ne3A_718 = arith.cmpi ne, %rem3A_716, %ne3A_717 : i32
      %and3A_719 = arith.andi %ne3A_715, %ne3A_718 : i1
      %sub3A_720 = arith.constant 1 : i32
      %sub3A_721 = arith.subi %div3A_700, %sub3A_720 : i32
      %select_n3A_722 = arith.select %and3A_719, %sub3A_721, %div3A_700 : i32
      %jit3A_723 = arith.constant 4 : i32
      %eq3A_724 = arith.constant 0 : i32
      %eq3A_725 = arith.cmpi eq, %jit3A_723, %eq3A_724 : i32
      %jit3A_726 = arith.constant 1 : i32
      %select_n3A_727 = arith.select %eq3A_725, %jit3A_726, %jit3A_723 : i32
      %rem3A_728 = arith.remsi %add3A_698, %select_n3A_727 : i32
      %ne3A_729 = arith.constant 0 : i32
      %ne3A_730 = arith.cmpi ne, %rem3A_728, %ne3A_729 : i32
      %lt3A_731 = arith.constant 0 : i32
      %lt3A_732 = arith.cmpi slt, %rem3A_728, %lt3A_731 : i32
      %lt3A_733 = arith.constant 0 : i32
      %lt3A_734 = arith.cmpi slt, %select_n3A_727, %lt3A_733 : i32
      %ne3A_735 = arith.xori %lt3A_732, %lt3A_734 : i1
      %and3A_736 = arith.andi %ne3A_735, %ne3A_730 : i1
      %add3A_737 = arith.addi %rem3A_728, %select_n3A_727 : i32
      %select_n3A_738 = arith.select %and3A_736, %add3A_737, %rem3A_728 : i32
      %mul3A_739 = arith.constant 128 : i32
      %mul3A_740 = arith.muli %select_n3A_738, %mul3A_739 : i32
      %add3A_741 = arith.addi %mul3A_2, %mul3A_740 : i32
      %dma_wait3A_742 = arith.constant 1 : i32
      %dma_wait3A_743 = arith.constant 0 : i32
      %dma_wait3A_744 = arith.constant 0 : i32
      %dma_wait3A_745 = tpu.memref_slice %arg6[%dma_wait3A_742, %dma_wait3A_743, %dma_wait3A_744] : memref<5x128x128xf32, #tpu.memory_space<vmem>> -> memref<1x128x128xf32, #tpu.memory_space<vmem>>
      %dma_wait3A_746 = tpu.memref_squeeze %dma_wait3A_745 : memref<1x128x128xf32, #tpu.memory_space<vmem>> -> memref<128x128xf32, #tpu.memory_space<vmem>>
      %dma_wait3A_747 = arith.constant 0 : i32
      %dma_wait3A_748 = tpu.memref_slice %arg4[%select_n3A_722, %add3A_741, %dma_wait3A_747] : memref<50x16384x128xf32, #tpu.memory_space<hbm>> -> memref<1x128x128xf32, #tpu.memory_space<hbm>>
      %dma_wait3A_749 = tpu.memref_squeeze %dma_wait3A_748 : memref<1x128x128xf32, #tpu.memory_space<hbm>> -> memref<128x128xf32, #tpu.memory_space<hbm>>
      %dma_wait3A_750 = arith.constant 0 : i32
      %dma_wait3A_751 = tpu.memref_slice %arg4[%select_n3A_722, %add3A_741, %dma_wait3A_750] : memref<50x16384x128xf32, #tpu.memory_space<hbm>> -> memref<1x128x128xf32, #tpu.memory_space<hbm>>
      %dma_wait3A_752 = tpu.memref_squeeze %dma_wait3A_751 : memref<1x128x128xf32, #tpu.memory_space<hbm>> -> memref<128x128xf32, #tpu.memory_space<hbm>>
      %dma_wait3A_753 = arith.constant 0 : i32
      %dma_wait3A_754 = arith.constant 0 : i32
      %dma_wait3A_755 = tpu.memref_slice %arg6[%dma_wait3A_742, %dma_wait3A_753, %dma_wait3A_754] : memref<5x128x128xf32, #tpu.memory_space<vmem>> -> memref<1x128x128xf32, #tpu.memory_space<vmem>>
      %dma_wait3A_756 = tpu.memref_squeeze %dma_wait3A_755 : memref<1x128x128xf32, #tpu.memory_space<vmem>> -> memref<128x128xf32, #tpu.memory_space<vmem>>
      tpu.wait_dma2 semaphore(%arg13 : memref<!tpu.dma_semaphore, #tpu.memory_space<semaphore_mem>>) src(%dma_wait3A_756 : memref<128x128xf32, #tpu.memory_space<vmem>>) dst(%dma_wait3A_752 : memref<128x128xf32, #tpu.memory_space<hbm>>)
      %add3A_757 = arith.constant 5 : i32
      %add3A_758 = arith.addi %add3A_70, %add3A_757 : i32
      %add3A_759 = arith.constant 1 : i32
      %add3A_760 = arith.addi %add3A_758, %add3A_759 : i32
      %lt3A_761 = arith.constant 200 : i32
      %lt3A_762 = arith.cmpi slt, %add3A_760, %lt3A_761 : i32
      %convert_element_type3A_763 = arith.extui %lt3A_762 : i1 to i32
      %cond3A_764 = arith.constant 0 : i32
      %cond3A_765 = arith.cmpi ne, %convert_element_type3A_763, %cond3A_764 : i32
      scf.if %cond3A_765 {
        %add3A_973 = arith.constant 5 : i32
        %add3A_974 = arith.addi %add3A_70, %add3A_973 : i32
        %add3A_975 = arith.constant 1 : i32
        %add3A_976 = arith.addi %add3A_974, %add3A_975 : i32
        %jit3A_977 = arith.constant 4 : i32
        %div3A_978 = arith.divsi %add3A_976, %jit3A_977 : i32
        %sign3A_979 = arith.constant 0 : i32
        %sign3A_980 = arith.cmpi sgt, %add3A_976, %sign3A_979 : i32
        %sign3A_981 = arith.extui %sign3A_980 : i1 to i32
        %sign3A_982 = arith.constant 0 : i32
        %sign3A_983 = arith.cmpi slt, %add3A_976, %sign3A_982 : i32
        %sign3A_984 = arith.extui %sign3A_983 : i1 to i32
        %sign3A_985 = arith.subi %sign3A_981, %sign3A_984 : i32
        %sign3A_986 = arith.constant 0 : i32
        %sign3A_987 = arith.cmpi sgt, %jit3A_977, %sign3A_986 : i32
        %sign3A_988 = arith.extui %sign3A_987 : i1 to i32
        %sign3A_989 = arith.constant 0 : i32
        %sign3A_990 = arith.cmpi slt, %jit3A_977, %sign3A_989 : i32
        %sign3A_991 = arith.extui %sign3A_990 : i1 to i32
        %sign3A_992 = arith.subi %sign3A_988, %sign3A_991 : i32
        %ne3A_993 = arith.cmpi ne, %sign3A_985, %sign3A_992 : i32
        %rem3A_994 = arith.remsi %add3A_976, %jit3A_977 : i32
        %ne3A_995 = arith.constant 0 : i32
        %ne3A_996 = arith.cmpi ne, %rem3A_994, %ne3A_995 : i32
        %and3A_997 = arith.andi %ne3A_993, %ne3A_996 : i1
        %sub3A_998 = arith.constant 1 : i32
        %sub3A_999 = arith.subi %div3A_978, %sub3A_998 : i32
        %select_n3A_1000 = arith.select %and3A_997, %sub3A_999, %div3A_978 : i32
        %jit3A_1001 = arith.constant 4 : i32
        %eq3A_1002 = arith.constant 0 : i32
        %eq3A_1003 = arith.cmpi eq, %jit3A_1001, %eq3A_1002 : i32
        %jit3A_1004 = arith.constant 1 : i32
        %select_n3A_1005 = arith.select %eq3A_1003, %jit3A_1004, %jit3A_1001 : i32
        %rem3A_1006 = arith.remsi %add3A_976, %select_n3A_1005 : i32
        %ne3A_1007 = arith.constant 0 : i32
        %ne3A_1008 = arith.cmpi ne, %rem3A_1006, %ne3A_1007 : i32
        %lt3A_1009 = arith.constant 0 : i32
        %lt3A_1010 = arith.cmpi slt, %rem3A_1006, %lt3A_1009 : i32
        %lt3A_1011 = arith.constant 0 : i32
        %lt3A_1012 = arith.cmpi slt, %select_n3A_1005, %lt3A_1011 : i32
        %ne3A_1013 = arith.xori %lt3A_1010, %lt3A_1012 : i1
        %and3A_1014 = arith.andi %ne3A_1013, %ne3A_1008 : i1
        %add3A_1015 = arith.addi %rem3A_1006, %select_n3A_1005 : i32
        %select_n3A_1016 = arith.select %and3A_1014, %add3A_1015, %rem3A_1006 : i32
        %mul3A_1017 = arith.constant 128 : i32
        %mul3A_1018 = arith.muli %select_n3A_1016, %mul3A_1017 : i32
        %dma_start3A_1019 = arith.constant 1 : i32
        %dma_start3A_1020 = arith.constant 0 : i32
        %dma_start3A_1021 = arith.constant 0 : i32
        %dma_start3A_1022 = tpu.memref_slice %arg6[%dma_start3A_1019, %dma_start3A_1020, %dma_start3A_1021] : memref<5x128x128xf32, #tpu.memory_space<vmem>> -> memref<1x128x128xf32, #tpu.memory_space<vmem>>
        %dma_start3A_1023 = tpu.memref_squeeze %dma_start3A_1022 : memref<1x128x128xf32, #tpu.memory_space<vmem>> -> memref<128x128xf32, #tpu.memory_space<vmem>>
        %dma_start3A_1024 = tpu.memref_slice %arg5[%select_n3A_1000, %mul3A_1018] : memref<50x512xi32, #tpu.memory_space<vmem>> -> memref<1x128xi32, #tpu.memory_space<vmem>>
        %dma_start3A_1025 = tpu.memref_squeeze %dma_start3A_1024 : memref<1x128xi32, #tpu.memory_space<vmem>> -> memref<128xi32, #tpu.memory_space<vmem>>
        %dma_start3A_1026 = arith.constant 0 : i32
        %dma_start3A_1027 = arith.constant 0 : i32
        %dma_start3A_1028 = tpu.memref_slice %arg3[%dma_start3A_1026, %dma_start3A_1027] : memref<1000000x128xf32, #tpu.memory_space<hbm>> -> memref<1000000x128xf32, #tpu.memory_space<hbm>>
        tpu.enqueue_indirect_dma source(%dma_start3A_1028 : memref<1000000x128xf32, #tpu.memory_space<hbm>>) target(%dma_start3A_1023 : memref<128x128xf32, #tpu.memory_space<vmem>>) offsets(%dma_start3A_1025 : memref<128xi32, #tpu.memory_space<vmem>>) semaphore(%arg8 : memref<!tpu.dma_semaphore, #tpu.memory_space<semaphore_mem>>)
      } else {
      }
      %add3A_766 = arith.constant 2 : i32
      %add3A_767 = arith.addi %add3A_70, %add3A_766 : i32
      %jit3A_768 = arith.constant 4 : i32
      %div3A_769 = arith.divsi %add3A_767, %jit3A_768 : i32
      %sign3A_770 = arith.constant 0 : i32
      %sign3A_771 = arith.cmpi sgt, %add3A_767, %sign3A_770 : i32
      %sign3A_772 = arith.extui %sign3A_771 : i1 to i32
      %sign3A_773 = arith.constant 0 : i32
      %sign3A_774 = arith.cmpi slt, %add3A_767, %sign3A_773 : i32
      %sign3A_775 = arith.extui %sign3A_774 : i1 to i32
      %sign3A_776 = arith.subi %sign3A_772, %sign3A_775 : i32
      %sign3A_777 = arith.constant 0 : i32
      %sign3A_778 = arith.cmpi sgt, %jit3A_768, %sign3A_777 : i32
      %sign3A_779 = arith.extui %sign3A_778 : i1 to i32
      %sign3A_780 = arith.constant 0 : i32
      %sign3A_781 = arith.cmpi slt, %jit3A_768, %sign3A_780 : i32
      %sign3A_782 = arith.extui %sign3A_781 : i1 to i32
      %sign3A_783 = arith.subi %sign3A_779, %sign3A_782 : i32
      %ne3A_784 = arith.cmpi ne, %sign3A_776, %sign3A_783 : i32
      %rem3A_785 = arith.remsi %add3A_767, %jit3A_768 : i32
      %ne3A_786 = arith.constant 0 : i32
      %ne3A_787 = arith.cmpi ne, %rem3A_785, %ne3A_786 : i32
      %and3A_788 = arith.andi %ne3A_784, %ne3A_787 : i1
      %sub3A_789 = arith.constant 1 : i32
      %sub3A_790 = arith.subi %div3A_769, %sub3A_789 : i32
      %select_n3A_791 = arith.select %and3A_788, %sub3A_790, %div3A_769 : i32
      %jit3A_792 = arith.constant 4 : i32
      %eq3A_793 = arith.constant 0 : i32
      %eq3A_794 = arith.cmpi eq, %jit3A_792, %eq3A_793 : i32
      %jit3A_795 = arith.constant 1 : i32
      %select_n3A_796 = arith.select %eq3A_794, %jit3A_795, %jit3A_792 : i32
      %rem3A_797 = arith.remsi %add3A_767, %select_n3A_796 : i32
      %ne3A_798 = arith.constant 0 : i32
      %ne3A_799 = arith.cmpi ne, %rem3A_797, %ne3A_798 : i32
      %lt3A_800 = arith.constant 0 : i32
      %lt3A_801 = arith.cmpi slt, %rem3A_797, %lt3A_800 : i32
      %lt3A_802 = arith.constant 0 : i32
      %lt3A_803 = arith.cmpi slt, %select_n3A_796, %lt3A_802 : i32
      %ne3A_804 = arith.xori %lt3A_801, %lt3A_803 : i1
      %and3A_805 = arith.andi %ne3A_804, %ne3A_799 : i1
      %add3A_806 = arith.addi %rem3A_797, %select_n3A_796 : i32
      %select_n3A_807 = arith.select %and3A_805, %add3A_806, %rem3A_797 : i32
      %mul3A_808 = arith.constant 128 : i32
      %mul3A_809 = arith.muli %select_n3A_807, %mul3A_808 : i32
      %add3A_810 = arith.addi %mul3A_2, %mul3A_809 : i32
      %dma_wait3A_811 = arith.constant 2 : i32
      %dma_wait3A_812 = arith.constant 0 : i32
      %dma_wait3A_813 = arith.constant 0 : i32
      %dma_wait3A_814 = tpu.memref_slice %arg6[%dma_wait3A_811, %dma_wait3A_812, %dma_wait3A_813] : memref<5x128x128xf32, #tpu.memory_space<vmem>> -> memref<1x128x128xf32, #tpu.memory_space<vmem>>
      %dma_wait3A_815 = tpu.memref_squeeze %dma_wait3A_814 : memref<1x128x128xf32, #tpu.memory_space<vmem>> -> memref<128x128xf32, #tpu.memory_space<vmem>>
      %dma_wait3A_816 = arith.constant 0 : i32
      %dma_wait3A_817 = tpu.memref_slice %arg4[%select_n3A_791, %add3A_810, %dma_wait3A_816] : memref<50x16384x128xf32, #tpu.memory_space<hbm>> -> memref<1x128x128xf32, #tpu.memory_space<hbm>>
      %dma_wait3A_818 = tpu.memref_squeeze %dma_wait3A_817 : memref<1x128x128xf32, #tpu.memory_space<hbm>> -> memref<128x128xf32, #tpu.memory_space<hbm>>
      %dma_wait3A_819 = arith.constant 0 : i32
      %dma_wait3A_820 = tpu.memref_slice %arg4[%select_n3A_791, %add3A_810, %dma_wait3A_819] : memref<50x16384x128xf32, #tpu.memory_space<hbm>> -> memref<1x128x128xf32, #tpu.memory_space<hbm>>
      %dma_wait3A_821 = tpu.memref_squeeze %dma_wait3A_820 : memref<1x128x128xf32, #tpu.memory_space<hbm>> -> memref<128x128xf32, #tpu.memory_space<hbm>>
      %dma_wait3A_822 = arith.constant 0 : i32
      %dma_wait3A_823 = arith.constant 0 : i32
      %dma_wait3A_824 = tpu.memref_slice %arg6[%dma_wait3A_811, %dma_wait3A_822, %dma_wait3A_823] : memref<5x128x128xf32, #tpu.memory_space<vmem>> -> memref<1x128x128xf32, #tpu.memory_space<vmem>>
      %dma_wait3A_825 = tpu.memref_squeeze %dma_wait3A_824 : memref<1x128x128xf32, #tpu.memory_space<vmem>> -> memref<128x128xf32, #tpu.memory_space<vmem>>
      tpu.wait_dma2 semaphore(%arg14 : memref<!tpu.dma_semaphore, #tpu.memory_space<semaphore_mem>>) src(%dma_wait3A_825 : memref<128x128xf32, #tpu.memory_space<vmem>>) dst(%dma_wait3A_821 : memref<128x128xf32, #tpu.memory_space<hbm>>)
      %add3A_826 = arith.constant 5 : i32
      %add3A_827 = arith.addi %add3A_70, %add3A_826 : i32
      %add3A_828 = arith.constant 2 : i32
      %add3A_829 = arith.addi %add3A_827, %add3A_828 : i32
      %lt3A_830 = arith.constant 200 : i32
      %lt3A_831 = arith.cmpi slt, %add3A_829, %lt3A_830 : i32
      %convert_element_type3A_832 = arith.extui %lt3A_831 : i1 to i32
      %cond3A_833 = arith.constant 0 : i32
      %cond3A_834 = arith.cmpi ne, %convert_element_type3A_832, %cond3A_833 : i32
      scf.if %cond3A_834 {
        %add3A_973 = arith.constant 5 : i32
        %add3A_974 = arith.addi %add3A_70, %add3A_973 : i32
        %add3A_975 = arith.constant 2 : i32
        %add3A_976 = arith.addi %add3A_974, %add3A_975 : i32
        %jit3A_977 = arith.constant 4 : i32
        %div3A_978 = arith.divsi %add3A_976, %jit3A_977 : i32
        %sign3A_979 = arith.constant 0 : i32
        %sign3A_980 = arith.cmpi sgt, %add3A_976, %sign3A_979 : i32
        %sign3A_981 = arith.extui %sign3A_980 : i1 to i32
        %sign3A_982 = arith.constant 0 : i32
        %sign3A_983 = arith.cmpi slt, %add3A_976, %sign3A_982 : i32
        %sign3A_984 = arith.extui %sign3A_983 : i1 to i32
        %sign3A_985 = arith.subi %sign3A_981, %sign3A_984 : i32
        %sign3A_986 = arith.constant 0 : i32
        %sign3A_987 = arith.cmpi sgt, %jit3A_977, %sign3A_986 : i32
        %sign3A_988 = arith.extui %sign3A_987 : i1 to i32
        %sign3A_989 = arith.constant 0 : i32
        %sign3A_990 = arith.cmpi slt, %jit3A_977, %sign3A_989 : i32
        %sign3A_991 = arith.extui %sign3A_990 : i1 to i32
        %sign3A_992 = arith.subi %sign3A_988, %sign3A_991 : i32
        %ne3A_993 = arith.cmpi ne, %sign3A_985, %sign3A_992 : i32
        %rem3A_994 = arith.remsi %add3A_976, %jit3A_977 : i32
        %ne3A_995 = arith.constant 0 : i32
        %ne3A_996 = arith.cmpi ne, %rem3A_994, %ne3A_995 : i32
        %and3A_997 = arith.andi %ne3A_993, %ne3A_996 : i1
        %sub3A_998 = arith.constant 1 : i32
        %sub3A_999 = arith.subi %div3A_978, %sub3A_998 : i32
        %select_n3A_1000 = arith.select %and3A_997, %sub3A_999, %div3A_978 : i32
        %jit3A_1001 = arith.constant 4 : i32
        %eq3A_1002 = arith.constant 0 : i32
        %eq3A_1003 = arith.cmpi eq, %jit3A_1001, %eq3A_1002 : i32
        %jit3A_1004 = arith.constant 1 : i32
        %select_n3A_1005 = arith.select %eq3A_1003, %jit3A_1004, %jit3A_1001 : i32
        %rem3A_1006 = arith.remsi %add3A_976, %select_n3A_1005 : i32
        %ne3A_1007 = arith.constant 0 : i32
        %ne3A_1008 = arith.cmpi ne, %rem3A_1006, %ne3A_1007 : i32
        %lt3A_1009 = arith.constant 0 : i32
        %lt3A_1010 = arith.cmpi slt, %rem3A_1006, %lt3A_1009 : i32
        %lt3A_1011 = arith.constant 0 : i32
        %lt3A_1012 = arith.cmpi slt, %select_n3A_1005, %lt3A_1011 : i32
        %ne3A_1013 = arith.xori %lt3A_1010, %lt3A_1012 : i1
        %and3A_1014 = arith.andi %ne3A_1013, %ne3A_1008 : i1
        %add3A_1015 = arith.addi %rem3A_1006, %select_n3A_1005 : i32
        %select_n3A_1016 = arith.select %and3A_1014, %add3A_1015, %rem3A_1006 : i32
        %mul3A_1017 = arith.constant 128 : i32
        %mul3A_1018 = arith.muli %select_n3A_1016, %mul3A_1017 : i32
        %dma_start3A_1019 = arith.constant 2 : i32
        %dma_start3A_1020 = arith.constant 0 : i32
        %dma_start3A_1021 = arith.constant 0 : i32
        %dma_start3A_1022 = tpu.memref_slice %arg6[%dma_start3A_1019, %dma_start3A_1020, %dma_start3A_1021] : memref<5x128x128xf32, #tpu.memory_space<vmem>> -> memref<1x128x128xf32, #tpu.memory_space<vmem>>
        %dma_start3A_1023 = tpu.memref_squeeze %dma_start3A_1022 : memref<1x128x128xf32, #tpu.memory_space<vmem>> -> memref<128x128xf32, #tpu.memory_space<vmem>>
        %dma_start3A_1024 = tpu.memref_slice %arg5[%select_n3A_1000, %mul3A_1018] : memref<50x512xi32, #tpu.memory_space<vmem>> -> memref<1x128xi32, #tpu.memory_space<vmem>>
        %dma_start3A_1025 = tpu.memref_squeeze %dma_start3A_1024 : memref<1x128xi32, #tpu.memory_space<vmem>> -> memref<128xi32, #tpu.memory_space<vmem>>
        %dma_start3A_1026 = arith.constant 0 : i32
        %dma_start3A_1027 = arith.constant 0 : i32
        %dma_start3A_1028 = tpu.memref_slice %arg3[%dma_start3A_1026, %dma_start3A_1027] : memref<1000000x128xf32, #tpu.memory_space<hbm>> -> memref<1000000x128xf32, #tpu.memory_space<hbm>>
        tpu.enqueue_indirect_dma source(%dma_start3A_1028 : memref<1000000x128xf32, #tpu.memory_space<hbm>>) target(%dma_start3A_1023 : memref<128x128xf32, #tpu.memory_space<vmem>>) offsets(%dma_start3A_1025 : memref<128xi32, #tpu.memory_space<vmem>>) semaphore(%arg9 : memref<!tpu.dma_semaphore, #tpu.memory_space<semaphore_mem>>)
      } else {
      }
      %add3A_835 = arith.constant 3 : i32
      %add3A_836 = arith.addi %add3A_70, %add3A_835 : i32
      %jit3A_837 = arith.constant 4 : i32
      %div3A_838 = arith.divsi %add3A_836, %jit3A_837 : i32
      %sign3A_839 = arith.constant 0 : i32
      %sign3A_840 = arith.cmpi sgt, %add3A_836, %sign3A_839 : i32
      %sign3A_841 = arith.extui %sign3A_840 : i1 to i32
      %sign3A_842 = arith.constant 0 : i32
      %sign3A_843 = arith.cmpi slt, %add3A_836, %sign3A_842 : i32
      %sign3A_844 = arith.extui %sign3A_843 : i1 to i32
      %sign3A_845 = arith.subi %sign3A_841, %sign3A_844 : i32
      %sign3A_846 = arith.constant 0 : i32
      %sign3A_847 = arith.cmpi sgt, %jit3A_837, %sign3A_846 : i32
      %sign3A_848 = arith.extui %sign3A_847 : i1 to i32
      %sign3A_849 = arith.constant 0 : i32
      %sign3A_850 = arith.cmpi slt, %jit3A_837, %sign3A_849 : i32
      %sign3A_851 = arith.extui %sign3A_850 : i1 to i32
      %sign3A_852 = arith.subi %sign3A_848, %sign3A_851 : i32
      %ne3A_853 = arith.cmpi ne, %sign3A_845, %sign3A_852 : i32
      %rem3A_854 = arith.remsi %add3A_836, %jit3A_837 : i32
      %ne3A_855 = arith.constant 0 : i32
      %ne3A_856 = arith.cmpi ne, %rem3A_854, %ne3A_855 : i32
      %and3A_857 = arith.andi %ne3A_853, %ne3A_856 : i1
      %sub3A_858 = arith.constant 1 : i32
      %sub3A_859 = arith.subi %div3A_838, %sub3A_858 : i32
      %select_n3A_860 = arith.select %and3A_857, %sub3A_859, %div3A_838 : i32
      %jit3A_861 = arith.constant 4 : i32
      %eq3A_862 = arith.constant 0 : i32
      %eq3A_863 = arith.cmpi eq, %jit3A_861, %eq3A_862 : i32
      %jit3A_864 = arith.constant 1 : i32
      %select_n3A_865 = arith.select %eq3A_863, %jit3A_864, %jit3A_861 : i32
      %rem3A_866 = arith.remsi %add3A_836, %select_n3A_865 : i32
      %ne3A_867 = arith.constant 0 : i32
      %ne3A_868 = arith.cmpi ne, %rem3A_866, %ne3A_867 : i32
      %lt3A_869 = arith.constant 0 : i32
      %lt3A_870 = arith.cmpi slt, %rem3A_866, %lt3A_869 : i32
      %lt3A_871 = arith.constant 0 : i32
      %lt3A_872 = arith.cmpi slt, %select_n3A_865, %lt3A_871 : i32
      %ne3A_873 = arith.xori %lt3A_870, %lt3A_872 : i1
      %and3A_874 = arith.andi %ne3A_873, %ne3A_868 : i1
      %add3A_875 = arith.addi %rem3A_866, %select_n3A_865 : i32
      %select_n3A_876 = arith.select %and3A_874, %add3A_875, %rem3A_866 : i32
      %mul3A_877 = arith.constant 128 : i32
      %mul3A_878 = arith.muli %select_n3A_876, %mul3A_877 : i32
      %add3A_879 = arith.addi %mul3A_2, %mul3A_878 : i32
      %dma_wait3A_880 = arith.constant 3 : i32
      %dma_wait3A_881 = arith.constant 0 : i32
      %dma_wait3A_882 = arith.constant 0 : i32
      %dma_wait3A_883 = tpu.memref_slice %arg6[%dma_wait3A_880, %dma_wait3A_881, %dma_wait3A_882] : memref<5x128x128xf32, #tpu.memory_space<vmem>> -> memref<1x128x128xf32, #tpu.memory_space<vmem>>
      %dma_wait3A_884 = tpu.memref_squeeze %dma_wait3A_883 : memref<1x128x128xf32, #tpu.memory_space<vmem>> -> memref<128x128xf32, #tpu.memory_space<vmem>>
      %dma_wait3A_885 = arith.constant 0 : i32
      %dma_wait3A_886 = tpu.memref_slice %arg4[%select_n3A_860, %add3A_879, %dma_wait3A_885] : memref<50x16384x128xf32, #tpu.memory_space<hbm>> -> memref<1x128x128xf32, #tpu.memory_space<hbm>>
      %dma_wait3A_887 = tpu.memref_squeeze %dma_wait3A_886 : memref<1x128x128xf32, #tpu.memory_space<hbm>> -> memref<128x128xf32, #tpu.memory_space<hbm>>
      %dma_wait3A_888 = arith.constant 0 : i32
      %dma_wait3A_889 = tpu.memref_slice %arg4[%select_n3A_860, %add3A_879, %dma_wait3A_888] : memref<50x16384x128xf32, #tpu.memory_space<hbm>> -> memref<1x128x128xf32, #tpu.memory_space<hbm>>
      %dma_wait3A_890 = tpu.memref_squeeze %dma_wait3A_889 : memref<1x128x128xf32, #tpu.memory_space<hbm>> -> memref<128x128xf32, #tpu.memory_space<hbm>>
      %dma_wait3A_891 = arith.constant 0 : i32
      %dma_wait3A_892 = arith.constant 0 : i32
      %dma_wait3A_893 = tpu.memref_slice %arg6[%dma_wait3A_880, %dma_wait3A_891, %dma_wait3A_892] : memref<5x128x128xf32, #tpu.memory_space<vmem>> -> memref<1x128x128xf32, #tpu.memory_space<vmem>>
      %dma_wait3A_894 = tpu.memref_squeeze %dma_wait3A_893 : memref<1x128x128xf32, #tpu.memory_space<vmem>> -> memref<128x128xf32, #tpu.memory_space<vmem>>
      tpu.wait_dma2 semaphore(%arg15 : memref<!tpu.dma_semaphore, #tpu.memory_space<semaphore_mem>>) src(%dma_wait3A_894 : memref<128x128xf32, #tpu.memory_space<vmem>>) dst(%dma_wait3A_890 : memref<128x128xf32, #tpu.memory_space<hbm>>)
      %add3A_895 = arith.constant 5 : i32
      %add3A_896 = arith.addi %add3A_70, %add3A_895 : i32
      %add3A_897 = arith.constant 3 : i32
      %add3A_898 = arith.addi %add3A_896, %add3A_897 : i32
      %lt3A_899 = arith.constant 200 : i32
      %lt3A_900 = arith.cmpi slt, %add3A_898, %lt3A_899 : i32
      %convert_element_type3A_901 = arith.extui %lt3A_900 : i1 to i32
      %cond3A_902 = arith.constant 0 : i32
      %cond3A_903 = arith.cmpi ne, %convert_element_type3A_901, %cond3A_902 : i32
      scf.if %cond3A_903 {
        %add3A_973 = arith.constant 5 : i32
        %add3A_974 = arith.addi %add3A_70, %add3A_973 : i32
        %add3A_975 = arith.constant 3 : i32
        %add3A_976 = arith.addi %add3A_974, %add3A_975 : i32
        %jit3A_977 = arith.constant 4 : i32
        %div3A_978 = arith.divsi %add3A_976, %jit3A_977 : i32
        %sign3A_979 = arith.constant 0 : i32
        %sign3A_980 = arith.cmpi sgt, %add3A_976, %sign3A_979 : i32
        %sign3A_981 = arith.extui %sign3A_980 : i1 to i32
        %sign3A_982 = arith.constant 0 : i32
        %sign3A_983 = arith.cmpi slt, %add3A_976, %sign3A_982 : i32
        %sign3A_984 = arith.extui %sign3A_983 : i1 to i32
        %sign3A_985 = arith.subi %sign3A_981, %sign3A_984 : i32
        %sign3A_986 = arith.constant 0 : i32
        %sign3A_987 = arith.cmpi sgt, %jit3A_977, %sign3A_986 : i32
        %sign3A_988 = arith.extui %sign3A_987 : i1 to i32
        %sign3A_989 = arith.constant 0 : i32
        %sign3A_990 = arith.cmpi slt, %jit3A_977, %sign3A_989 : i32
        %sign3A_991 = arith.extui %sign3A_990 : i1 to i32
        %sign3A_992 = arith.subi %sign3A_988, %sign3A_991 : i32
        %ne3A_993 = arith.cmpi ne, %sign3A_985, %sign3A_992 : i32
        %rem3A_994 = arith.remsi %add3A_976, %jit3A_977 : i32
        %ne3A_995 = arith.constant 0 : i32
        %ne3A_996 = arith.cmpi ne, %rem3A_994, %ne3A_995 : i32
        %and3A_997 = arith.andi %ne3A_993, %ne3A_996 : i1
        %sub3A_998 = arith.constant 1 : i32
        %sub3A_999 = arith.subi %div3A_978, %sub3A_998 : i32
        %select_n3A_1000 = arith.select %and3A_997, %sub3A_999, %div3A_978 : i32
        %jit3A_1001 = arith.constant 4 : i32
        %eq3A_1002 = arith.constant 0 : i32
        %eq3A_1003 = arith.cmpi eq, %jit3A_1001, %eq3A_1002 : i32
        %jit3A_1004 = arith.constant 1 : i32
        %select_n3A_1005 = arith.select %eq3A_1003, %jit3A_1004, %jit3A_1001 : i32
        %rem3A_1006 = arith.remsi %add3A_976, %select_n3A_1005 : i32
        %ne3A_1007 = arith.constant 0 : i32
        %ne3A_1008 = arith.cmpi ne, %rem3A_1006, %ne3A_1007 : i32
        %lt3A_1009 = arith.constant 0 : i32
        %lt3A_1010 = arith.cmpi slt, %rem3A_1006, %lt3A_1009 : i32
        %lt3A_1011 = arith.constant 0 : i32
        %lt3A_1012 = arith.cmpi slt, %select_n3A_1005, %lt3A_1011 : i32
        %ne3A_1013 = arith.xori %lt3A_1010, %lt3A_1012 : i1
        %and3A_1014 = arith.andi %ne3A_1013, %ne3A_1008 : i1
        %add3A_1015 = arith.addi %rem3A_1006, %select_n3A_1005 : i32
        %select_n3A_1016 = arith.select %and3A_1014, %add3A_1015, %rem3A_1006 : i32
        %mul3A_1017 = arith.constant 128 : i32
        %mul3A_1018 = arith.muli %select_n3A_1016, %mul3A_1017 : i32
        %dma_start3A_1019 = arith.constant 3 : i32
        %dma_start3A_1020 = arith.constant 0 : i32
        %dma_start3A_1021 = arith.constant 0 : i32
        %dma_start3A_1022 = tpu.memref_slice %arg6[%dma_start3A_1019, %dma_start3A_1020, %dma_start3A_1021] : memref<5x128x128xf32, #tpu.memory_space<vmem>> -> memref<1x128x128xf32, #tpu.memory_space<vmem>>
        %dma_start3A_1023 = tpu.memref_squeeze %dma_start3A_1022 : memref<1x128x128xf32, #tpu.memory_space<vmem>> -> memref<128x128xf32, #tpu.memory_space<vmem>>
        %dma_start3A_1024 = tpu.memref_slice %arg5[%select_n3A_1000, %mul3A_1018] : memref<50x512xi32, #tpu.memory_space<vmem>> -> memref<1x128xi32, #tpu.memory_space<vmem>>
        %dma_start3A_1025 = tpu.memref_squeeze %dma_start3A_1024 : memref<1x128xi32, #tpu.memory_space<vmem>> -> memref<128xi32, #tpu.memory_space<vmem>>
        %dma_start3A_1026 = arith.constant 0 : i32
        %dma_start3A_1027 = arith.constant 0 : i32
        %dma_start3A_1028 = tpu.memref_slice %arg3[%dma_start3A_1026, %dma_start3A_1027] : memref<1000000x128xf32, #tpu.memory_space<hbm>> -> memref<1000000x128xf32, #tpu.memory_space<hbm>>
        tpu.enqueue_indirect_dma source(%dma_start3A_1028 : memref<1000000x128xf32, #tpu.memory_space<hbm>>) target(%dma_start3A_1023 : memref<128x128xf32, #tpu.memory_space<vmem>>) offsets(%dma_start3A_1025 : memref<128xi32, #tpu.memory_space<vmem>>) semaphore(%arg10 : memref<!tpu.dma_semaphore, #tpu.memory_space<semaphore_mem>>)
      } else {
      }
      %add3A_904 = arith.constant 4 : i32
      %add3A_905 = arith.addi %add3A_70, %add3A_904 : i32
      %jit3A_906 = arith.constant 4 : i32
      %div3A_907 = arith.divsi %add3A_905, %jit3A_906 : i32
      %sign3A_908 = arith.constant 0 : i32
      %sign3A_909 = arith.cmpi sgt, %add3A_905, %sign3A_908 : i32
      %sign3A_910 = arith.extui %sign3A_909 : i1 to i32
      %sign3A_911 = arith.constant 0 : i32
      %sign3A_912 = arith.cmpi slt, %add3A_905, %sign3A_911 : i32
      %sign3A_913 = arith.extui %sign3A_912 : i1 to i32
      %sign3A_914 = arith.subi %sign3A_910, %sign3A_913 : i32
      %sign3A_915 = arith.constant 0 : i32
      %sign3A_916 = arith.cmpi sgt, %jit3A_906, %sign3A_915 : i32
      %sign3A_917 = arith.extui %sign3A_916 : i1 to i32
      %sign3A_918 = arith.constant 0 : i32
      %sign3A_919 = arith.cmpi slt, %jit3A_906, %sign3A_918 : i32
      %sign3A_920 = arith.extui %sign3A_919 : i1 to i32
      %sign3A_921 = arith.subi %sign3A_917, %sign3A_920 : i32
      %ne3A_922 = arith.cmpi ne, %sign3A_914, %sign3A_921 : i32
      %rem3A_923 = arith.remsi %add3A_905, %jit3A_906 : i32
      %ne3A_924 = arith.constant 0 : i32
      %ne3A_925 = arith.cmpi ne, %rem3A_923, %ne3A_924 : i32
      %and3A_926 = arith.andi %ne3A_922, %ne3A_925 : i1
      %sub3A_927 = arith.constant 1 : i32
      %sub3A_928 = arith.subi %div3A_907, %sub3A_927 : i32
      %select_n3A_929 = arith.select %and3A_926, %sub3A_928, %div3A_907 : i32
      %jit3A_930 = arith.constant 4 : i32
      %eq3A_931 = arith.constant 0 : i32
      %eq3A_932 = arith.cmpi eq, %jit3A_930, %eq3A_931 : i32
      %jit3A_933 = arith.constant 1 : i32
      %select_n3A_934 = arith.select %eq3A_932, %jit3A_933, %jit3A_930 : i32
      %rem3A_935 = arith.remsi %add3A_905, %select_n3A_934 : i32
      %ne3A_936 = arith.constant 0 : i32
      %ne3A_937 = arith.cmpi ne, %rem3A_935, %ne3A_936 : i32
      %lt3A_938 = arith.constant 0 : i32
      %lt3A_939 = arith.cmpi slt, %rem3A_935, %lt3A_938 : i32
      %lt3A_940 = arith.constant 0 : i32
      %lt3A_941 = arith.cmpi slt, %select_n3A_934, %lt3A_940 : i32
      %ne3A_942 = arith.xori %lt3A_939, %lt3A_941 : i1
      %and3A_943 = arith.andi %ne3A_942, %ne3A_937 : i1
      %add3A_944 = arith.addi %rem3A_935, %select_n3A_934 : i32
      %select_n3A_945 = arith.select %and3A_943, %add3A_944, %rem3A_935 : i32
      %mul3A_946 = arith.constant 128 : i32
      %mul3A_947 = arith.muli %select_n3A_945, %mul3A_946 : i32
      %add3A_948 = arith.addi %mul3A_2, %mul3A_947 : i32
      %dma_wait3A_949 = arith.constant 4 : i32
      %dma_wait3A_950 = arith.constant 0 : i32
      %dma_wait3A_951 = arith.constant 0 : i32
      %dma_wait3A_952 = tpu.memref_slice %arg6[%dma_wait3A_949, %dma_wait3A_950, %dma_wait3A_951] : memref<5x128x128xf32, #tpu.memory_space<vmem>> -> memref<1x128x128xf32, #tpu.memory_space<vmem>>
      %dma_wait3A_953 = tpu.memref_squeeze %dma_wait3A_952 : memref<1x128x128xf32, #tpu.memory_space<vmem>> -> memref<128x128xf32, #tpu.memory_space<vmem>>
      %dma_wait3A_954 = arith.constant 0 : i32
      %dma_wait3A_955 = tpu.memref_slice %arg4[%select_n3A_929, %add3A_948, %dma_wait3A_954] : memref<50x16384x128xf32, #tpu.memory_space<hbm>> -> memref<1x128x128xf32, #tpu.memory_space<hbm>>
      %dma_wait3A_956 = tpu.memref_squeeze %dma_wait3A_955 : memref<1x128x128xf32, #tpu.memory_space<hbm>> -> memref<128x128xf32, #tpu.memory_space<hbm>>
      %dma_wait3A_957 = arith.constant 0 : i32
      %dma_wait3A_958 = tpu.memref_slice %arg4[%select_n3A_929, %add3A_948, %dma_wait3A_957] : memref<50x16384x128xf32, #tpu.memory_space<hbm>> -> memref<1x128x128xf32, #tpu.memory_space<hbm>>
      %dma_wait3A_959 = tpu.memref_squeeze %dma_wait3A_958 : memref<1x128x128xf32, #tpu.memory_space<hbm>> -> memref<128x128xf32, #tpu.memory_space<hbm>>
      %dma_wait3A_960 = arith.constant 0 : i32
      %dma_wait3A_961 = arith.constant 0 : i32
      %dma_wait3A_962 = tpu.memref_slice %arg6[%dma_wait3A_949, %dma_wait3A_960, %dma_wait3A_961] : memref<5x128x128xf32, #tpu.memory_space<vmem>> -> memref<1x128x128xf32, #tpu.memory_space<vmem>>
      %dma_wait3A_963 = tpu.memref_squeeze %dma_wait3A_962 : memref<1x128x128xf32, #tpu.memory_space<vmem>> -> memref<128x128xf32, #tpu.memory_space<vmem>>
      tpu.wait_dma2 semaphore(%arg16 : memref<!tpu.dma_semaphore, #tpu.memory_space<semaphore_mem>>) src(%dma_wait3A_963 : memref<128x128xf32, #tpu.memory_space<vmem>>) dst(%dma_wait3A_959 : memref<128x128xf32, #tpu.memory_space<hbm>>)
      %add3A_964 = arith.constant 5 : i32
      %add3A_965 = arith.addi %add3A_70, %add3A_964 : i32
      %add3A_966 = arith.constant 4 : i32
      %add3A_967 = arith.addi %add3A_965, %add3A_966 : i32
      %lt3A_968 = arith.constant 200 : i32
      %lt3A_969 = arith.cmpi slt, %add3A_967, %lt3A_968 : i32
      %convert_element_type3A_970 = arith.extui %lt3A_969 : i1 to i32
      %cond3A_971 = arith.constant 0 : i32
      %cond3A_972 = arith.cmpi ne, %convert_element_type3A_970, %cond3A_971 : i32
      scf.if %cond3A_972 {
        %add3A_973 = arith.constant 5 : i32
        %add3A_974 = arith.addi %add3A_70, %add3A_973 : i32
        %add3A_975 = arith.constant 4 : i32
        %add3A_976 = arith.addi %add3A_974, %add3A_975 : i32
        %jit3A_977 = arith.constant 4 : i32
        %div3A_978 = arith.divsi %add3A_976, %jit3A_977 : i32
        %sign3A_979 = arith.constant 0 : i32
        %sign3A_980 = arith.cmpi sgt, %add3A_976, %sign3A_979 : i32
        %sign3A_981 = arith.extui %sign3A_980 : i1 to i32
        %sign3A_982 = arith.constant 0 : i32
        %sign3A_983 = arith.cmpi slt, %add3A_976, %sign3A_982 : i32
        %sign3A_984 = arith.extui %sign3A_983 : i1 to i32
        %sign3A_985 = arith.subi %sign3A_981, %sign3A_984 : i32
        %sign3A_986 = arith.constant 0 : i32
        %sign3A_987 = arith.cmpi sgt, %jit3A_977, %sign3A_986 : i32
        %sign3A_988 = arith.extui %sign3A_987 : i1 to i32
        %sign3A_989 = arith.constant 0 : i32
        %sign3A_990 = arith.cmpi slt, %jit3A_977, %sign3A_989 : i32
        %sign3A_991 = arith.extui %sign3A_990 : i1 to i32
        %sign3A_992 = arith.subi %sign3A_988, %sign3A_991 : i32
        %ne3A_993 = arith.cmpi ne, %sign3A_985, %sign3A_992 : i32
        %rem3A_994 = arith.remsi %add3A_976, %jit3A_977 : i32
        %ne3A_995 = arith.constant 0 : i32
        %ne3A_996 = arith.cmpi ne, %rem3A_994, %ne3A_995 : i32
        %and3A_997 = arith.andi %ne3A_993, %ne3A_996 : i1
        %sub3A_998 = arith.constant 1 : i32
        %sub3A_999 = arith.subi %div3A_978, %sub3A_998 : i32
        %select_n3A_1000 = arith.select %and3A_997, %sub3A_999, %div3A_978 : i32
        %jit3A_1001 = arith.constant 4 : i32
        %eq3A_1002 = arith.constant 0 : i32
        %eq3A_1003 = arith.cmpi eq, %jit3A_1001, %eq3A_1002 : i32
        %jit3A_1004 = arith.constant 1 : i32
        %select_n3A_1005 = arith.select %eq3A_1003, %jit3A_1004, %jit3A_1001 : i32
        %rem3A_1006 = arith.remsi %add3A_976, %select_n3A_1005 : i32
        %ne3A_1007 = arith.constant 0 : i32
        %ne3A_1008 = arith.cmpi ne, %rem3A_1006, %ne3A_1007 : i32
        %lt3A_1009 = arith.constant 0 : i32
        %lt3A_1010 = arith.cmpi slt, %rem3A_1006, %lt3A_1009 : i32
        %lt3A_1011 = arith.constant 0 : i32
        %lt3A_1012 = arith.cmpi slt, %select_n3A_1005, %lt3A_1011 : i32
        %ne3A_1013 = arith.xori %lt3A_1010, %lt3A_1012 : i1
        %and3A_1014 = arith.andi %ne3A_1013, %ne3A_1008 : i1
        %add3A_1015 = arith.addi %rem3A_1006, %select_n3A_1005 : i32
        %select_n3A_1016 = arith.select %and3A_1014, %add3A_1015, %rem3A_1006 : i32
        %mul3A_1017 = arith.constant 128 : i32
        %mul3A_1018 = arith.muli %select_n3A_1016, %mul3A_1017 : i32
        %dma_start3A_1019 = arith.constant 4 : i32
        %dma_start3A_1020 = arith.constant 0 : i32
        %dma_start3A_1021 = arith.constant 0 : i32
        %dma_start3A_1022 = tpu.memref_slice %arg6[%dma_start3A_1019, %dma_start3A_1020, %dma_start3A_1021] : memref<5x128x128xf32, #tpu.memory_space<vmem>> -> memref<1x128x128xf32, #tpu.memory_space<vmem>>
        %dma_start3A_1023 = tpu.memref_squeeze %dma_start3A_1022 : memref<1x128x128xf32, #tpu.memory_space<vmem>> -> memref<128x128xf32, #tpu.memory_space<vmem>>
        %dma_start3A_1024 = tpu.memref_slice %arg5[%select_n3A_1000, %mul3A_1018] : memref<50x512xi32, #tpu.memory_space<vmem>> -> memref<1x128xi32, #tpu.memory_space<vmem>>
        %dma_start3A_1025 = tpu.memref_squeeze %dma_start3A_1024 : memref<1x128xi32, #tpu.memory_space<vmem>> -> memref<128xi32, #tpu.memory_space<vmem>>
        %dma_start3A_1026 = arith.constant 0 : i32
        %dma_start3A_1027 = arith.constant 0 : i32
        %dma_start3A_1028 = tpu.memref_slice %arg3[%dma_start3A_1026, %dma_start3A_1027] : memref<1000000x128xf32, #tpu.memory_space<hbm>> -> memref<1000000x128xf32, #tpu.memory_space<hbm>>
        tpu.enqueue_indirect_dma source(%dma_start3A_1028 : memref<1000000x128xf32, #tpu.memory_space<hbm>>) target(%dma_start3A_1023 : memref<128x128xf32, #tpu.memory_space<vmem>>) offsets(%dma_start3A_1025 : memref<128xi32, #tpu.memory_space<vmem>>) semaphore(%arg11 : memref<!tpu.dma_semaphore, #tpu.memory_space<semaphore_mem>>)
      } else {
      }
    }
    %scan3A_65 = arith.constant 40 : i32
    return
  }
}

module attributes {stable_mosaic.version = 14 : i64} {
  func.func @_fmt_out_body(%arg0: i32, %arg1: memref<1x16384x128xf32, #tpu.memory_space<vmem>>, %arg2: memref<1x64x16384xf32, #tpu.memory_space<vmem>>) attributes {dimension_semantics = [#tpu.dimension_semantics<arbitrary>], iteration_bounds = array<i64: 50>, scalar_prefetch = 0 : i64, scratch_operands = 0 : i64, tpu.core_type = #tpu.core_type<tc>, window_params = [{transform_indices = @transform_0, window_bounds = array<i64: 1, 16384, 128>}, {transform_indices = @transform_1, window_bounds = array<i64: 1, 64, 16384>}]} {
    %get3A = arith.constant 0 : index
    %get3A_0 = arith.constant 0 : index
    %get3A_1 = arith.constant 0 : index
    %get3A_2 = vector.load %arg1[%get3A, %get3A_0, %get3A_1] : memref<1x16384x128xf32, #tpu.memory_space<vmem>>, vector<1x16384x64xf32>
    %get3A_3 = vector.shape_cast %get3A_2 : vector<1x16384x64xf32> to vector<16384x64xf32>
    %transpose3A = tpu.transpose %get3A_3, [1, 0] : vector<16384x64xf32> -> vector<64x16384xf32>
    %swap3A = arith.constant 0 : index
    %swap3A_4 = arith.constant 0 : index
    %swap3A_5 = arith.constant 0 : index
    %swap3A_6 = vector.load %arg2[%swap3A, %swap3A_4, %swap3A_5] : memref<1x64x16384xf32, #tpu.memory_space<vmem>>, vector<1x64x16384xf32>
    %swap3A_7 = vector.shape_cast %swap3A_6 : vector<1x64x16384xf32> to vector<64x16384xf32>
    %swap3A_8 = vector.shape_cast %transpose3A : vector<64x16384xf32> to vector<1x64x16384xf32>
    tpu.vector_store %arg2[%swap3A, %swap3A_4, %swap3A_5], %swap3A_8 {strides = array<i32>} : memref<1x64x16384xf32, #tpu.memory_space<vmem>>, vector<1x64x16384xf32>,
    return
  }
  func.func @transform_0(%arg0: i32) -> (i32, i32, i32) {
    %c0_i32 = arith.constant 0 : i32
    %c0_i32_0 = arith.constant 0 : i32
    %c0_i32_1 = arith.constant 0 : i32
    return %arg0, %c0_i32, %c0_i32_0 : i32, i32, i32
  }
  func.func @transform_1(%arg0: i32) -> (i32, i32, i32) {
    %c0_i32 = arith.constant 0 : i32
    %c0_i32_0 = arith.constant 0 : i32
    %c0_i32_1 = arith.constant 0 : i32
    return %arg0, %c0_i32, %c0_i32_0 : i32, i32, i32
  }
}

module attributes {stable_mosaic.version = 14 : i64} {
  func.func @_fmt_table_body(%arg0: i32, %arg1: memref<64x16384xf32, #tpu.memory_space<vmem>>, %arg2: memref<16384x128xf32, #tpu.memory_space<vmem>>) attributes {dimension_semantics = [#tpu.dimension_semantics<arbitrary>], iteration_bounds = array<i64: 62>, scalar_prefetch = 0 : i64, scratch_operands = 0 : i64, tpu.core_type = #tpu.core_type<tc>, window_params = [{transform_indices = @transform_0, window_bounds = array<i64: 64, 16384>}, {transform_indices = @transform_1, window_bounds = array<i64: 16384, 128>}]} {
    %get3A = arith.constant 0 : index
    %get3A_0 = arith.constant 0 : index
    %get3A_1 = vector.load %arg1[%get3A, %get3A_0] : memref<64x16384xf32, #tpu.memory_space<vmem>>, vector<64x16384xf32>
    %transpose3A = tpu.transpose %get3A_1, [1, 0] : vector<64x16384xf32> -> vector<16384x64xf32>
    %swap3A = arith.constant 0 : index
    %swap3A_2 = arith.constant 0 : index
    %swap3A_3 = vector.load %arg2[%swap3A, %swap3A_2] : memref<16384x128xf32, #tpu.memory_space<vmem>>, vector<16384x64xf32>
    tpu.vector_store %arg2[%swap3A, %swap3A_2], %transpose3A {strides = array<i32>} : memref<16384x128xf32, #tpu.memory_space<vmem>>, vector<16384x64xf32>,
    return
  }
  func.func @transform_0(%arg0: i32) -> (i32, i32) {
    %c0_i32 = arith.constant 0 : i32
    %c0_i32_0 = arith.constant 0 : i32
    return %c0_i32, %arg0 : i32, i32
  }
  func.func @transform_1(%arg0: i32) -> (i32, i32) {
    %c0_i32 = arith.constant 0 : i32
    %c0_i32_0 = arith.constant 0 : i32
    return %arg0, %c0_i32 : i32, i32
  }
}

</mosaic_0001>

<sc_bundles>
// kernel: kernel.5.cloned.1.call-start
scs
__scs_entry_jumppad:
0x0: {  	(pc) =	sbr.rel $0x88, $3  }
0x1: {  	(tag) =	ssettag $0x0;
	lr =	simm.s32 $0x1  }
0x2: {  	[smem:$0x3F9F] =	sst lr;
	_ =	strace $0xD0000000  }
0x3: {  	_ = 	snop  }
0x4: {  	_ = 	snop  }
0x5: {  	_ = 	snop  }
0x6: {  	_ = 	snop  }
0x7: {  	_ = 	snop  }
__scs_overlays_trampoline_lowered:
0x8: {  	[smem:$0x3FAE] =	sst s0  }
0x9: {  	[smem:$0x3FAF] =	sst s1  }
0xa: {  	[smem:$0x3FB0] =	sst s2  }
0xb: {  	[smem:$0x3FB1] =	sst s3  }
0xc: {  	[smem:$0x3FB2] =	sst s4  }
0xd: {  	[smem:$0x3FB3] =	sst s5  }
0xe: {  	[smem:$0x3FB4] =	sst s6  }
0xf: {  	[smem:$0x3FB5] =	sst s7  }
0x10: {  	[smem:$0x3FB6] =	sst s8  }
0x11: {  	[smem:$0x3FB7] =	sst s9;
	s0 =	simm.s32 @!p0 $0x0  }
0x12: {  	s1 =	sld [smem:$0x3F9D];
	s0 =	simm.s32 @p0 $0x1  }
0x13: {  	[smem:$0x3FB8] =	sst s0;
	s0 =	simm.s32 @!p1 $0x0  }
0x14: {  	s2 =	sld [smem:$0x3F9C];
	s0 =	simm.s32 @p1 $0x1  }
0x15: {  	[smem:$0x3FB9] =	sst s0;
	s0 =	simm.s32 @!p2 $0x0  }
0x16: {  	s3 =	sld [smem:$0x3FDB];
	s0 =	simm.s32 @p2 $0x1  }
0x17: {  	s4 =	simm.s32 $0x1BF5;
	[smem:$0x3FBB] =	sst s0  }
0x18: {  	s0 =	sld [smem:$0x3F9E];
	_ =	swait.ge [sflag:s4], $0x0  }
0x19: {  	s7 =	sld [smem:$0x3F9F]  }
0x1a: {  	s8 =	sadd.s32 $0xFFFFE003, lr  }
0x1b: {  	s9 =	sadd.s32 $0xFFFFFEF7, lr;
	s5 =	simm.s32 $0xFFFFFFFF;
	p2 =	slt.u32 s8, $0xFFFFF086  }
0x1c: {  	p1 =	slt.u32 s9, $0xF7A;
	s5 =	simm.s32 @!p2 $0x0  }
0x1d: {  	s5 =	simm.s32 @p1 $0x1;
	p0 =	seq.s32 s7, s2  }
0x1e: {  	s7 =	smul.u32 @!p0 $0xF7A, s2;
	p2 =	seq.s32 @!p0 s5, $0x0  }
0x1f: {  	s9 =	smul.u32 $0xF7A, s1;
	s8 =	simm.s32 @!p0 $0x1BF5;
	p2 =	por !p2, p0  }
0x20: {  	[sflag:s8] =	ssyncset.s32 @!p0 $0xFFFFF086;
	s6 =	sadd.s32 @!p0 s3, s7;
	s7 =	simm.s32 @!p0 $0x108  }
0x21: {  	s3 =	sadd.s32 s3, s9;
	s6 =	sadd.s32 @!p0 $0x88, s6;
	s7 =	simm.s32 @p2 $0x1082  }
0x22: {  	[simem:s7], [sflag:s8] =	dma.local @!p0 [hbm:s6], $0xF7A  }
0x23: {  	s9 =	sor.u32 $0xD0000000, s2;
	s6 =	simm.s32 $0x108;
	_ =	swait.ge @!p0 [sflag:s8], $0x0  }
0x24: {  	s3 =	sadd.s32 $0x88, s3;
	s6 =	simm.s32 @!p1 $0x1082;
	[sflag:s4] =	ssyncset.s32 $0xFFFFF086  }
0x25: {  	[simem:s6], [sflag:s4] =	dma.local [hbm:s3], $0xF7A  }
0x26: {  	[smem:$0x3F9F] =	sst s1;
	(tag) =	ssettag s2;
	_ =	strace s9  }
0x27: {  	s1 =	sld [smem:$0x3FAF]  }
0x28: {  	s2 =	sld [smem:$0x3FB0]  }
0x29: {  	s4 =	sld [smem:$0x3FB2]  }
0x2a: {  	p0 =	seq.s32 s5, $0x0;
	s5 =	sld [smem:$0x3FB3]  }
0x2b: {  	s6 =	sld [smem:$0x3FB4]  }
0x2c: {  	s7 =	sld [smem:$0x3FB5]  }
0x2d: {  	s3 =	simm.s32 $0x108;
	s8 =	sld [smem:$0x3FB6]  }
0x2e: {  	s3 =	simm.s32 @!p0 $0x1082;
	s9 =	sld [smem:$0x3FB7]  }
0x2f: {  	lr =	sadd.s32 s0, s3;
	s0 =	sld [smem:$0x3FAE]  }
0x30: {  	s3 =	sld [smem:$0x3FB1]  }
0x31: {  	[smem:$0x3FBA] =	sst s10  }
0x32: {  	s10 =	sld [smem:$0x3FB8];
	_ =	sdelay $0x3  }
0x33: {  	p0 =	seq.s32 s10, $0x1;
	s10 =	sld [smem:$0x3FBA];
	_ =	sdelay $0x3  }
0x34: {  	[smem:$0x3FBA] =	sst s10  }
0x35: {  	s10 =	sld [smem:$0x3FB9];
	_ =	sdelay $0x3  }
0x36: {  	p1 =	seq.s32 s10, $0x1;
	s10 =	sld [smem:$0x3FBA];
	_ =	sdelay $0x3  }
0x37: {  	[smem:$0x3FBA] =	sst s10  }
0x38: {  	s10 =	sld [smem:$0x3FBB]  }
0x39: {  	_ = 	snop;
	(pc) =	sbr.ind lr, $3  }
0x3a: {  	_ = 	snop  }
0x3b: {  	_ = 	snop  }
0x3c: {  	p2 =	seq.s32 s10, $0x1;
	s10 =	sld [smem:$0x3FBA]  }
0x3d: {  	_ =	shalt  }
0x3e: {  	_ =	shalt  }
0x3f: {  	_ =	shalt  }
0x40: {  	_ =	shalt  }
0x41: {  	_ =	shalt  }
0x42: {  	_ =	shalt  }
0x43: {  	_ =	shalt  }
0x44: {  	_ =	shalt  }
0x45: {  	_ =	shalt  }
0x46: {  	_ =	shalt  }
0x47: {  	_ =	shalt  }
0x48: {  	_ =	shalt  }
0x49: {  	_ =	shalt  }
0x4a: {  	_ =	shalt  }
0x4b: {  	_ =	shalt  }
0x4c: {  	_ =	shalt  }
0x4d: {  	_ =	shalt  }
0x4e: {  	_ =	shalt  }
0x4f: {  	_ =	shalt  }
0x50: {  	_ =	shalt  }
0x51: {  	_ =	shalt  }
0x52: {  	_ =	shalt  }
0x53: {  	_ =	shalt  }
0x54: {  	_ =	shalt  }
0x55: {  	_ =	shalt  }
0x56: {  	_ =	shalt  }
0x57: {  	_ =	shalt  }
0x58: {  	_ =	shalt  }
0x59: {  	_ =	shalt  }
0x5a: {  	_ =	shalt  }
0x5b: {  	_ =	shalt  }
0x5c: {  	_ =	shalt  }
0x5d: {  	_ =	shalt  }
0x5e: {  	_ =	shalt  }
0x5f: {  	_ =	shalt  }
0x60: {  	_ =	shalt  }
0x61: {  	_ =	shalt  }
0x62: {  	_ =	shalt  }
0x63: {  	_ =	shalt  }
0x64: {  	_ =	shalt  }
0x65: {  	_ =	shalt  }
0x66: {  	_ =	shalt  }
0x67: {  	_ =	shalt  }
0x68: {  	_ =	shalt  }
0x69: {  	_ =	shalt  }
0x6a: {  	_ =	shalt  }
0x6b: {  	_ =	shalt  }
0x6c: {  	_ =	shalt  }
0x6d: {  	_ =	shalt  }
0x6e: {  	_ =	shalt  }
0x6f: {  	_ =	shalt  }
0x70: {  	_ =	shalt  }
0x71: {  	_ =	shalt  }
0x72: {  	_ =	shalt  }
0x73: {  	_ =	shalt  }
0x74: {  	_ =	shalt  }
0x75: {  	_ =	shalt  }
0x76: {  	_ =	shalt  }
0x77: {  	_ =	shalt  }
0x78: {  	_ =	shalt  }
0x79: {  	_ =	shalt  }
0x7a: {  	_ =	shalt  }
0x7b: {  	_ =	shalt  }
0x7c: {  	_ =	shalt  }
0x7d: {  	_ =	shalt  }
0x7e: {  	_ =	shalt  }
0x7f: {  	_ =	shalt  }
0x80: {  	_ =	shalt  }
0x81: {  	_ =	shalt  }
0x82: {  	_ =	shalt  }
0x83: {  	_ =	shalt  }
0x84: {  	_ =	shalt  }
0x85: {  	_ =	shalt  }
0x86: {  	_ =	shalt  }
0x87: {  	_ =	shalt  }
.Lfunc_end0:
.L_simem_size_0:
called_computation_lowered:
.L_overlay_start_0:
0x88: {  	s2 =	sld [smem:$0x3FD9]  }
0x89: {  	s3 =	sld [smem:$0x3FFE];
	_ =	sdelay $0x1  }
0x8a: {  	s1 =	srdreg.scid  }
0x8b: {  	s0 =	sand.u32 $0x1, s1  }
0x8c: {  	s17 =	sshll.u32 s0, $0xA;
	s2 =	sadd.s32 s3, s2  }
0x8d: {  	s2 =	sadd.s32 s2, s17  }
0x8e: {  	[smem:$0x3FC6] =	sst s2  }
0x8f: {  	_ = 	snop  }
0x90: {  	s2 =	sld [smem:$0x3FD0];
	(tm) =	ssettm $0x1  }
0x91: {  	s18 =	sld [smem:$0x3FFB];
	_ =	sdelay $0x3  }
0x92: {  	_ =	strace s18  }
0x93: {  	s3 =	sld [smem:$0x3FFC];
	_ =	sdelay $0x3  }
0x94: {  	_ =	strace s3  }
0x95: {  	s3 =	sld [smem:$0x3FFD];
	_ =	sdelay $0x3  }
0x96: {  	_ =	strace s3  }
0x97: {  	_ =	strace $0x8FFFFFFF  }
0x98: {  	s19 =	sld [smem:$0x3FDB];
	_ =	sdelay $0x1  }
0x99: {  	s4 =	simm.s32 $_scs_section_size  }
0x9a: {  	s5 =	simm.s32 $_size__tile_overlayer_lowered;
	s6 =	simm.s32 $_tile_overlayer_lowered  }
0x9b: {  	s22 =	simm.s32 $0x1BFF;
	s21 =	sshll.u32 s6, $0x1;
	s3 =	sadd.s32 s4, s19  }
0x9c: {  	s7 =	simm.s32 $0x0;
	s20 =	sshll.u32 s5, $0x1;
	s5 =	sadd.s32 s21, s3  }
0x9d: {  	[timem:s7], [sflag:s22] =	dma.local [hbm:s5], s20  }
0x9e: {  	_ =	swait.ge [sflag:s22], s20  }
0x9f: {  	s4 =	ssub.s32 $0x0, s20;
	[sflag:s22] =	ssyncset.done $0x0  }
0xa0: {  	[sflag:s22] =	ssyncadd.s32 s4;
	_ =	sdelay $0x1  }
0xa1: {  	s23 =	simm.s32 $0x1B8B  }
0xa2: {  	_ =	swait.ge [sflag:s23], $0x1  }
0xa3: {  	[sflag:s23] =	ssyncset.done $0x0  }
0xa4: {  	s25 =	simm.s32 $0x1B8E;
	s24 =	sld [smem:$0x3FFE];
	[sflag:s23] =	ssyncadd.s32 $0xFFFFFFFF  }
0xa5: {  	s26 =	simm.s32 $execute0_lowered;
	[smem:$0x3FD2] =	sst s25  }
0xa6: {  	s5 =	sshll.u32 s26, $0x1;
	_ =	strace $0x80000046;
	[dreg:$0x1] =	wrdreg $0xFFFFFFFF  }
0xa7: {  	s28 =	simm.s32 $_size_execute0_lowered;
	s3 =	sadd.s32 s3, s5;
	[dreg:$0x0] =	wrdreg $0x0  }
0xa8: {  	s5 =	sshll.u32 s28, $0x1;
	[dreg:$0x2] =	wrdreg s3  }
0xa9: {  	[dreg:$0x3] =	wrdreg s5  }
0xaa: {  	[dreg:$0x4] =	wrdreg $0xC0  }
0xab: {  	_ =	task [dreg:s7], $0x5FFFF  }
0xac: {  	[dreg:$0x1] =	wrdreg $0xFFFFFFFF  }
0xad: {  	[dreg:$0x0] =	wrdreg $0x60  }
0xae: {  	[dreg:$0x2] =	wrdreg s2  }
0xaf: {  	[dreg:$0x3] =	wrdreg s24  }
0xb0: {  	[dreg:$0x4] =	wrdreg $0x9  }
0xb1: {  	_ =	task.clear_ibuf [dreg:s7], $0x5FFFF;
	_ =	strace $0x90000046  }
0xb2: {  	s29 =	simm.s32 $0x9;
	_ =	strace $0x80000048  }
0xb3: {  	_ =	swait.ge [sflag:s29], $0x1  }
0xb4: {  	[sflag:s29] =	ssyncadd.s32 $0xFFFFFFFF  }
0xb5: {  	_ =	strace $0x90000048  }
0xb6: {  	_ =	sfence  }
0xb7: {  	s30 =	sld [smem:$0x0];
	_ =	sdelay $0x2  }
0xb8: {  	s31 =	sshll.u32 s1, $0xD;
	s1 =	sshrl.u32 s1, $0x2  }
0xb9: {  	s3 =	sand.u32 $0x4000, s31;
	s1 =	sadd.s32 s1, s30  }
0xba: {  	s0 =	sor.u32 s3, s0;
	s1 =	sshll.u32 s1, $0x11  }
0xbb: {  	s0 =	sor.u32 s1, s0  }
0xbc: {  	s0 =	sadd.s32 $0x8F2B, s0  }
0xbd: {  	[sflag:s0] =	ssyncadd.remote.s32 $0x1  }
0xbe: {  	_ =	sfence.sel $0xFFFF  }
0xbf: {  	[dreg:$0x0] =	wrdreg $0xFFFFFFFF;
	(pc) =	sbr.abs _section_cstart, $3  }
0xc0: {  	[dreg:$0x1] =	wrdreg $0xFFFFFFFF  }
0xc1: {  	_ =	task.clear_ibuf [dreg:s7], $0x2FFFF;
	_ =	strace $0x9FFFFFFF  }
0xc2: {  	(tm) =	ssettm $0x7FFFFFFF  }
0xc3: {  	_ =	shalt  }
tec
execute0_lowered:
.L_overlay_start_1:
0x0: {  	(tag) =	ssettag $0x1  }
0x1: {  	s0 =	rddreg [dreg:$0x0]  }
0x2: {  	s1 =	rddreg [dreg:$0x1];
	s2 =	simm.s32 $0x0;
	s3 =	srdreg.scid  }
0x3: {  	s4 =	stileid.u32;
	s10 =	simm.s32 $0xB;
	s11 =	simm.s32 $0x80  }
0x4: {  	s12 =	simm.s32 $0x6400;
	s13 =	simm.s32 $0xA400;
	s15 =	simm.s32 $0xE400  }
0x5: {  	s17 =	simm.s32 $0x12400;
	s18 =	simm.s32 $0x16400;
	s19 =	simm.s32 $0x1  }
0x6: {  	s20 =	simm.s32 $0x2;
	s21 =	simm.s32 $0x3;
	s22 =	simm.s32 $0x4  }
0x7: {  	s23 =	simm.s32 $0x5;
	s24 =	simm.s32 $0x6;
	s28 =	simm.s32 $0x9  }
0x8: {  	s29 =	simm.s32 $0xA;
	s30 =	simm.s32 $0x0;
	s3 =	sand.u32 $0x1, s3  }
0x9: {  	[smem:$0x7FF] =	sst s2;
	s4 =	sshll.u32 s4, $0xA;
	s5 =	sshll.u32 s3, $0x9  }
.Ltmp0:
0xa: {  	s6 =	ssub.s32 $0x2, s3;
	s4 =	sor.u32 s5, s4;
	(pc) =	sbr.rel .LBB2_1-.Ltmp0, $4  }
0xb: {  	_ =	strace $0x80000047;
	s7 =	sshrl.u32 s6, $0x1;
	s26 =	sshrl.u32 s4, $0x3  }
0xc: {  	s3 =	sadd.s32 $0x400, s1;
	s25 =	ssub.s32 s6, s7;
	s0 =	sadd.s32 s0, s26  }
0xd: {  	s5 =	sadd.s32 $0xF42800, s1;
	s31 =	smax.u32 s25, $0x1;
	[dreg:$0x3] =	wrdreg s0  }
0xe: {  	s25 =	simm.s32 $0x7;
	s26 =	simm.s32 $0x8;
	[dreg:$0x4] =	wrdreg s31  }
.LBB2_4:
0xf: {  	_ =	swait.ge [sflag:s25], $0x4000  }
0x10: {  	[sflag:s25] =	ssyncset.done $0x0  }
0x11: {  	[sflag:s25] =	ssyncadd.s32 $0xFFFFC000  }
0x12: {  	_ =	swait.ge [sflag:s26], $0x4000  }
0x13: {  	[sflag:s26] =	ssyncset.done $0x0  }
0x14: {  	[sflag:s26] =	ssyncadd.s32 $0xFFFFC000  }
0x15: {  	_ =	swait.ge [sflag:s28], $0x4000  }
0x16: {  	[sflag:s28] =	ssyncset.done $0x0  }
0x17: {  	[sflag:s28] =	ssyncadd.s32 $0xFFFFC000  }
0x18: {  	_ =	swait.ge [sflag:s29], $0x4000  }
0x19: {  	s30 =	sadd.s32 $0x1, s30;
	s0 =	rddreg [dreg:$0x4]  }
0x1a: {  	p0 =	sne.s32 s30, s0  }
.Ltmp1:
0x1b: {  	_ = 	snop;
	(pc) =	sbr.rel @!p0 .LBB2_5-.Ltmp1, $3  }
0x1c: {  	_ =	sdelay $0x1  }
0x1d: {  	[sflag:s29] =	ssyncset.done $0x0  }
0x1e: {  	[sflag:s29] =	ssyncadd.s32 $0xFFFFC000  }
.LBB2_1:
0x1f: {  	s0 =	rddreg [dreg:$0x3];
	s1 =	simm.s32 $0x200;
	s6 =	simm.s32 $0x4000  }
0x20: {  	[tilespmem:s2], [sflag:$0xB] =	stream.strided.gather [hbm4b:s0+s1], $0x6400, s6, s1, $0x38;
	[tilespmem:$0x1A400] =	vst v63  }
0x21: {  	_ =	swait.ge [sflag:s10], $0x6400  }
0x22: {  	[sflag:s10] =	ssyncset.done $0x0  }
0x23: {  	[sflag:s10] =	ssyncadd.s32 $0xFFFF9C00  }
0x24: {  	[tilespmem:s12], [sflag:$0x1] =	stream.indirect.gather [hbm4b:s3+s11], $0x80, s2, s11, $0xb8;
	[tilespmem:$0x1A400] =	vst v63  }
0x25: {  	_ = 	snop  }
0x26: {  	[tilespmem:s13], [sflag:$0x2] =	stream.indirect.gather [hbm4b:s3+s11], $0x80, s11, s11, $0xb8;
	[tilespmem:$0x1A400] =	vst v63  }
0x27: {  	s14 =	simm.s32 $0x100  }
0x28: {  	[tilespmem:s15], [sflag:$0x3] =	stream.indirect.gather [hbm4b:s3+s11], $0x80, s14, s11, $0xb8;
	[tilespmem:$0x1A400] =	vst v63  }
0x29: {  	s16 =	simm.s32 $0x180  }
0x2a: {  	[tilespmem:s17], [sflag:$0x4] =	stream.indirect.gather [hbm4b:s3+s11], $0x80, s16, s11, $0xb8;
	[tilespmem:$0x1A400] =	vst v63  }
0x2b: {  	s31 =	simm.s32 $0x1200;
	s9 =	simm.s32 $0x200000  }
0x2c: {  	[tilespmem:s18], [sflag:$0x5] =	stream.indirect.gather [hbm4b:s3+s11], $0x80, s1, s11, $0xb8;
	[tilespmem:$0x1A400] =	vst v63  }
0x2d: {  	s0 =	simm.s32 $0x480;
	s14 =	simm.s32 $0x0;
	s1 =	simm.s32 $0x30000  }
.LBB2_2:
0x2e: {  	s16 =	sand.u32 $0x180, s14  }
0x2f: {  	s8 =	sadd.s32 $0xFFE00000, s9;
	s6 =	sor.u32 s4, s16  }
0x30: {  	s8 =	sand.u32 $0xFE00000, s8;
	s6 =	sshll.u32 s6, $0x7  }
0x31: {  	_ =	swait.ge [sflag:s19], $0x4000;
	s8 =	sor.u32 s8, s6  }
0x32: {  	[sflag:s19] =	ssyncset.done $0x0;
	s8 =	sshrl.u32 s8, $0x3  }
0x33: {  	[sflag:s19] =	ssyncadd.s32 $0xFFFFC000;
	s8 =	sadd.s32 s5, s8  }
0x34: {  	[hbm4b:s8+s2] =	stream.linear.scatter [tilespmem:s12], [sflag:$0x6], $0x4000, $0x38;
	[tilespmem:$0x1A400] =	vst v63  }
0x35: {  	s8 =	sadd.s32 $0xFFFFFC00, s0  }
0x36: {  	s7 =	sadd.s32 $0xFFFE0000, s1;
	s8 =	sand.u32 $0x180, s8  }
0x37: {  	s7 =	sand.u32 $0x3FC0000, s7;
	_ =	swait.ge [sflag:s20], $0x4000;
	s8 =	sor.u32 s4, s8  }
0x38: {  	s7 =	sadd.s32 s5, s7;
	[sflag:s20] =	ssyncset.done $0x0;
	s8 =	sshll.u32 s8, $0x4  }
0x39: {  	[sflag:s20] =	ssyncadd.s32 $0xFFFFC000;
	s7 =	sadd.s32 s8, s7  }
0x3a: {  	[hbm4b:s7+s2] =	stream.linear.scatter [tilespmem:s13], [sflag:$0x7], $0x4000, $0x38;
	[tilespmem:$0x1A400] =	vst v63  }
0x3b: {  	s7 =	sadd.s32 $0xFFFFFC80, s0  }
0x3c: {  	s8 =	sadd.s32 $0xFFFF0000, s1;
	s7 =	sand.u32 $0x180, s7  }
0x3d: {  	s8 =	sand.u32 $0x3FC0000, s8;
	_ =	swait.ge [sflag:s21], $0x4000;
	s7 =	sor.u32 s4, s7  }
0x3e: {  	s8 =	sadd.s32 s5, s8;
	[sflag:s21] =	ssyncset.done $0x0;
	s7 =	sshll.u32 s7, $0x4  }
0x3f: {  	[sflag:s21] =	ssyncadd.s32 $0xFFFFC000;
	s7 =	sadd.s32 s7, s8;
	s8 =	sadd.s32 $0xFFFFFD00, s0  }
0x40: {  	[hbm4b:s7+s2] =	stream.linear.scatter [tilespmem:s15], [sflag:$0x8], $0x4000, $0x38;
	[tilespmem:$0x1A400] =	vst v63  }
0x41: {  	s7 =	sand.u32 $0x180, s8  }
0x42: {  	s8 =	sand.u32 $0x3FC0000, s1;
	_ =	swait.ge [sflag:s22], $0x4000;
	s7 =	sor.u32 s4, s7  }
0x43: {  	s8 =	sadd.s32 s5, s8;
	[sflag:s22] =	ssyncset.done $0x0;
	s7 =	sshll.u32 s7, $0x4  }
0x44: {  	[sflag:s22] =	ssyncadd.s32 $0xFFFFC000;
	s7 =	sadd.s32 s7, s8;
	s8 =	sand.u32 $0x1FE00000, s9  }
0x45: {  	[hbm4b:s7+s2] =	stream.linear.scatter [tilespmem:s17], [sflag:$0x9], $0x4000, $0x38;
	[tilespmem:$0x1A400] =	vst v63  }
0x46: {  	s6 =	sor.u32 s8, s6;
	_ =	swait.ge [sflag:s23], $0x4000  }
0x47: {  	p0 =	seq.s32 s0, $0x6600;
	s6 =	sshrl.u32 s6, $0x3;
	[sflag:s23] =	ssyncset.done $0x0  }
.Ltmp2:
0x48: {  	s6 =	sadd.s32 s5, s6;
	[sflag:s23] =	ssyncadd.s32 $0xFFFFC000;
	(pc) =	sbr.rel @p0 .LBB2_4-.Ltmp2, $4  }
0x49: {  	[hbm4b:s6+s2] =	stream.linear.scatter [tilespmem:s18], [sflag:$0xA], $0x4000, $0x38;
	[tilespmem:$0x1A400] =	vst v63  }
0x4a: {  	_ =	swait.ge [sflag:s24], $0x4000  }
0x4b: {  	[sflag:s24] =	ssyncset.done $0x0  }
0x4c: {  	[sflag:s24] =	ssyncadd.s32 $0xFFFFC000  }
0x4d: {  	s6 =	sadd.s32 $0xFFFFF800, s31  }
0x4e: {  	s7 =	sadd.s32 $0xFFFFFE00, s0;
	s6 =	sand.u32 $0x7F800, s6  }
0x4f: {  	s7 =	sand.u32 $0x180, s7;
	s6 =	sshrl.u32 s6, $0x2  }
0x50: {  	s6 =	sor.u32 s7, s6;
	s7 =	sadd.s32 $0xFFFFFA00, s31  }
0x51: {  	[tilespmem:s12], [sflag:$0x1] =	stream.indirect.gather [hbm4b:s3+s11], $0x80, s6, s11, $0xb8;
	[tilespmem:$0x1A400] =	vst v63  }
0x52: {  	s8 =	sadd.s32 $0xFFFFFE80, s0;
	s6 =	sand.u32 $0x7F800, s7;
	_ =	swait.ge [sflag:s25], $0x4000  }
0x53: {  	s7 =	sand.u32 $0x180, s8;
	s6 =	sshrl.u32 s6, $0x2;
	[sflag:s25] =	ssyncset.done $0x0  }
0x54: {  	s6 =	sor.u32 s7, s6;
	s7 =	sadd.s32 $0xFFFFFC00, s31;
	[sflag:s25] =	ssyncadd.s32 $0xFFFFC000  }
0x55: {  	[tilespmem:s13], [sflag:$0x2] =	stream.indirect.gather [hbm4b:s3+s11], $0x80, s6, s11, $0xb8;
	[tilespmem:$0x1A400] =	vst v63  }
0x56: {  	s8 =	sadd.s32 $0xFFFFFF00, s0;
	s6 =	sand.u32 $0x7F800, s7;
	_ =	swait.ge [sflag:s26], $0x4000  }
0x57: {  	s7 =	sand.u32 $0x180, s8;
	s6 =	sshrl.u32 s6, $0x2;
	[sflag:s26] =	ssyncset.done $0x0  }
0x58: {  	s6 =	sor.u32 s7, s6;
	s7 =	sadd.s32 $0xFFFFFE00, s31;
	[sflag:s26] =	ssyncadd.s32 $0xFFFFC000  }
0x59: {  	[tilespmem:s15], [sflag:$0x3] =	stream.indirect.gather [hbm4b:s3+s11], $0x80, s6, s11, $0xb8;
	[tilespmem:$0x1A400] =	vst v63  }
0x5a: {  	s6 =	sand.u32 $0x7F800, s7;
	_ =	swait.ge [sflag:s28], $0x4000  }
0x5b: {  	s6 =	sshrl.u32 s6, $0x2;
	[sflag:s28] =	ssyncset.done $0x0  }
0x5c: {  	s1 =	sadd.s32 $0x50000, s1;
	s6 =	sor.u32 s16, s6;
	[sflag:s28] =	ssyncadd.s32 $0xFFFFC000  }
0x5d: {  	[tilespmem:s17], [sflag:$0x4] =	stream.indirect.gather [hbm4b:s3+s11], $0x80, s6, s11, $0xb8;
	[tilespmem:$0x1A400] =	vst v63  }
.Ltmp3:
0x5e: {  	s14 =	sadd.s32 $0x80, s14;
	s9 =	sadd.s32 $0x280000, s9;
	(pc) =	sbr.rel .LBB2_2-.Ltmp3, $4  }
0x5f: {  	s8 =	sand.u32 $0x7F800, s31;
	s31 =	sadd.s32 $0xA00, s31;
	_ =	swait.ge [sflag:s29], $0x4000  }
0x60: {  	s16 =	sand.u32 $0x180, s0;
	s6 =	sshrl.u32 s8, $0x2;
	[sflag:s29] =	ssyncset.done $0x0  }
0x61: {  	s0 =	sadd.s32 $0x280, s0;
	s6 =	sor.u32 s16, s6;
	[sflag:s29] =	ssyncadd.s32 $0xFFFFC000  }
0x62: {  	[tilespmem:s18], [sflag:$0x5] =	stream.indirect.gather [hbm4b:s3+s11], $0x80, s6, s11, $0xb8;
	[tilespmem:$0x1A400] =	vst v63  }
.LBB2_5:
0x63: {  	_ =	sfence.sel $0x180000  }
0x64: {  	[bflag:$0x0] =	sbarrier.arrive $0xFFFF  }
0x65: {  	_ =	strace $0x90000047  }
0x66: {  	s0 =	stileid.u32;
	[bflag:$0x2] =	sbarrier.arrive $0xFFFF  }
0x67: {  	p0 =	sne.s32 s0, $0x0;
	s0 =	rddreg [dreg:$0x2]  }
0x68: {  	s0 =	sadd.s32 @!p0 $0x100000, s0  }
0x69: {  	[sflag:s0] =	ssyncadd.tile.s32 @!p0 $0x1;
	_ =	shalt  }
.Lfunc_end2:
_tile_overlayer_lowered:
.L_overlay_start_2:
0x6a: {  	(tag) =	ssettag $0x2  }
0x6b: {  	s0 =	rddreg [dreg:$0x0];
	s2 =	stileid.u32  }
0x6c: {  	s1 =	rddreg [dreg:$0x1];
	p0 =	sne.s32 s2, $0x0  }
0x6d: {  	s3 =	rddreg [dreg:$0x2];
	[bflag:$0x3] =	sbarrier.arrive $0xFFFF;
	s2 =	simm.s32 @!p0 $0x1C0B  }
0x6e: {  	[timem:s3], [sflag:s2] =	dma.local @!p0 [hbm:s0], s1  }
0x6f: {  	s0 =	simm.s32 @!p0 $0xB  }
0x70: {  	_ =	swait.ge @!p0 [sflag:s0], s1  }
0x71: {  	s1 =	ssub.s32 @!p0 $0x0, s1;
	[sflag:s0] =	ssyncset.done @!p0 $0x0  }
0x72: {  	[sflag:s0] =	ssyncadd.s32 @!p0 s1  }
0x73: {  	[bflag:$0x3] =	sbarrier.arrive $0xFFFF  }
0x74: {  	_ =	shalt  }

</sc_bundles>
